<compile_context>
chip_gen: v7x
topology: tpu7x:2x2x1
jax: 0.10.2.dev20260603
libtpu: 0.0.44.dev20260713+nightly
codegen_flags: <defaults>
</compile_context>

<pallas_src>
import functools

import jax
import jax.numpy as jnp
from jax import lax
from jax.experimental import pallas as pl
from jax.experimental.pallas import tpu as pltpu
from jax.experimental.pallas import tpu_sc as plsc

E = 8
K = 2
D = 768
H = 768
NT = 960
N = 2048
BACK = 768

T = 512
G_MAX = (N * K) // T + E
P = G_MAX * T
RC = 128


def _gate_body(x_ref, gam_ref, bet_ref, gw_ref, gate_ref, pos_ref, meta_ref):
    x = x_ref[...]
    mu = jnp.mean(x, axis=1, keepdims=True)
    xc = x - mu
    var = jnp.mean(xc * xc, axis=1, keepdims=True)
    xn = xc * jax.lax.rsqrt(var + 1e-5)
    xn = xn * gam_ref[...] + bet_ref[...]
    logits = jnp.dot(xn, gw_ref[...], preferred_element_type=jnp.float32)
    lane = jax.lax.broadcasted_iota(jnp.int32, logits.shape, 1)
    m1 = jnp.max(logits, axis=1, keepdims=True)
    i1 = jnp.min(jnp.where(logits == m1, lane, E), axis=1, keepdims=True)
    masked = jnp.where(lane == i1, -jnp.inf, logits)
    m2 = jnp.max(masked, axis=1, keepdims=True)
    i2 = jnp.min(jnp.where(masked == m2, lane, E), axis=1, keepdims=True)
    g1 = 1.0 / (1.0 + jnp.exp(m2 - m1))
    gate_ref[...] = jnp.concatenate([g1, 1.0 - g1], axis=1)

    oh1 = (lane == i1).astype(jnp.bfloat16)
    oh2 = (lane == i2).astype(jnp.bfloat16)
    r_i = jax.lax.broadcasted_iota(jnp.int32, (RC, RC), 0)
    c_i = jax.lax.broadcasted_iota(jnp.int32, (RC, RC), 1)
    tri = (c_i <= r_i).astype(jnp.bfloat16)
    off = jnp.zeros((1, E), jnp.float32)
    ranks = []
    for oh in (oh1, oh2):
        for c in range(N // RC):
            blk = oh[c * RC:(c + 1) * RC, :]
            within = jnp.dot(tri, blk, preferred_element_type=jnp.float32)
            ranks.append(within + off - 1.0)
            off = off + within[RC - 1:RC, :]
    rank1 = jnp.concatenate(ranks[:N // RC], axis=0).astype(jnp.int32)
    rank2 = jnp.concatenate(ranks[N // RC:], axis=0).astype(jnp.int32)

    counts = off.astype(jnp.int32)
    tiles = (counts + (T - 1)) // T
    tile_end = tiles
    for s in (1, 2, 4):
        tile_end = tile_end + jnp.concatenate(
            [jnp.zeros((1, s), jnp.int32), tile_end[:, :E - s]], axis=1)
    poff = (tile_end - tiles) * T
    dst1 = jnp.sum(jnp.where(lane == i1, poff + rank1, 0), axis=1, keepdims=True)
    dst2 = jnp.sum(jnp.where(lane == i2, poff + rank2, 0), axis=1, keepdims=True)
    pos_ref[...] = jnp.concatenate([dst1, dst2], axis=1)

    total_tiles = jnp.max(tile_end)
    gcol = jax.lax.broadcasted_iota(jnp.int32, (G_MAX, E), 0)
    eg = jnp.sum((gcol >= jnp.broadcast_to(tile_end, (G_MAX, E)).astype(jnp.int32))
                 .astype(jnp.int32), axis=1, keepdims=True)
    eg = jnp.minimum(eg, E - 1)
    gi = gcol[:, :1]
    ot = jnp.minimum(gi, total_tiles - 1)
    valid = (gi < total_tiles).astype(jnp.int32)
    meta_ref[...] = jnp.concatenate([eg, ot, valid], axis=1)


def _gate(x, ln_gamma, ln_beta, gate_W):
    return pl.pallas_call(
        _gate_body,
        out_shape=(
            jax.ShapeDtypeStruct((N, K), jnp.float32),
            jax.ShapeDtypeStruct((N, K), jnp.int32),
            jax.ShapeDtypeStruct((G_MAX, 3), jnp.int32),
        ),
    )(x, ln_gamma.reshape(1, D), ln_beta.reshape(1, D), gate_W)


def _moe_body(eg_ref, ot_ref, valid_ref, xg_ref, w0_ref, w1_ref, w2_ref,
              out_ref):
    @pl.when(valid_ref[pl.program_id(0)] > 0)
    def _():
        xt = xg_ref[...]
        h = jnp.dot(xt, w0_ref[0], preferred_element_type=jnp.float32)
        h = jnp.dot(h, w1_ref[0], preferred_element_type=jnp.float32)
        h = jnp.maximum(h, 0.0)
        th = jnp.dot(h, w2_ref[...], preferred_element_type=jnp.float32)
        out_ref[...] = th


def _grouped_mlp(xg, w0b, w1b, w2b, eg, ot, valid):
    grid_spec = pltpu.PrefetchScalarGridSpec(
        num_scalar_prefetch=3,
        grid=(G_MAX,),
        in_specs=[
            pl.BlockSpec((T, D), lambda g, eg, ot, v: (ot[g], 0)),
            pl.BlockSpec((1, D, H), lambda g, eg, ot, v: (eg[g], 0, 0)),
            pl.BlockSpec((1, H, H), lambda g, eg, ot, v: (eg[g], 0, 0)),
            pl.BlockSpec((H, NT), lambda g, eg, ot, v: (eg[g], 0)),
        ],
        out_specs=pl.BlockSpec((T, NT), lambda g, eg, ot, v: (ot[g], 0)),
    )
    return pl.pallas_call(
        _moe_body,
        grid_spec=grid_spec,
        out_shape=jax.ShapeDtypeStruct((P, NT), jnp.float32),
    )(eg, ot, valid, xg, w0b, w1b, w2b.reshape(E * H, NT))


_NW = 32
_BW = N // _NW


@functools.partial(
    pl.kernel,
    out_type=jax.ShapeDtypeStruct((P, D), jnp.float32),
    mesh=plsc.VectorSubcoreMesh(core_axis_name="c", subcore_axis_name="s"),
    scratch_types=[
        pltpu.VMEM((_BW, D), jnp.float32),
        pltpu.VMEM((_BW,), jnp.int32),
        pltpu.VMEM((_BW,), jnp.int32),
        pltpu.SemaphoreType.DMA,
    ],
)
def _dispatch(x_hbm, pos0_hbm, pos1_hbm, xg_hbm, rows_v, idx0_v, idx1_v, sem):
    wid = lax.axis_index("s") * 2 + lax.axis_index("c")
    base = wid * _BW
    pltpu.sync_copy(x_hbm.at[pl.ds(base, _BW)], rows_v)
    pltpu.sync_copy(pos0_hbm.at[pl.ds(base, _BW)], idx0_v)
    pltpu.sync_copy(pos1_hbm.at[pl.ds(base, _BW)], idx1_v)
    cp0 = pltpu.async_copy(rows_v, xg_hbm.at[idx0_v], sem)
    cp1 = pltpu.async_copy(rows_v, xg_hbm.at[idx1_v], sem)
    cp0.wait()
    cp1.wait()


def kernel(insample_y, ln_gamma, ln_beta, gate_W, W0, W1, W2):
    x = insample_y
    gates, pos, meta = _gate(x, ln_gamma, ln_beta, gate_W)
    eg, ot, valid = meta[:, 0], meta[:, 1], meta[:, 2]

    xg = _dispatch(x, pos[:, 0], pos[:, 1])
    outbuf = _grouped_mlp(xg, W0, W1, W2, eg, ot, valid)

    theta = (gates[:, :1] * outbuf[pos[:, 0]]
             + gates[:, 1:] * outbuf[pos[:, 1]])
    return theta[:, :BACK], theta[:, BACK:]

# --- scband reference (transcript-rebuilt; emitter-appended) ---
"""Pipeline reference for scband-nbeatsmo-eblock-58016418234528 (READ-ONLY COPY).

The authoritative reference and input builder live on the scoring server;
editing this copy changes nothing except your own understanding.
"""

import jax, jax.numpy as jnp
import numpy as np

E = 8      # nr_experts
K = 2      # top_k
D = 768    # input_size (lookback window / gate_input_size)
H = 768    # mlp hidden width (mlp_units=[[768,768]])
NT = 960   # n_theta = backcast(768) + forecast(192)
N = 2048   # number of series rows (batch*seq tokens)
BACK = 768


def setup_inputs(seed: int = 0) -> dict:
    key = jax.random.key(seed)
    ks = jax.random.split(key, 8)
    insample_y = jax.random.normal(ks[0], (N, D), dtype=jnp.float32)
    # gate: LayerNorm(D) -> Linear(D, E, bias=False)
    ln_gamma = jnp.ones((D,), dtype=jnp.float32)
    ln_beta = jnp.zeros((D,), dtype=jnp.float32)
    gate_W = jax.random.normal(ks[1], (D, E), dtype=jnp.float32) * 0.02
    # per-expert MLP (bias=False): Linear(D,H) -> Linear(H,H) -> ReLU -> Linear(H,NT)
    W0 = jax.random.normal(ks[2], (E, D, H), dtype=jnp.float32) * 0.02
    W1 = jax.random.normal(ks[3], (E, H, H), dtype=jnp.float32) * 0.02
    W2 = jax.random.normal(ks[4], (E, H, NT), dtype=jnp.float32) * 0.02
    return {"insample_y": insample_y, "ln_gamma": ln_gamma, "ln_beta": ln_beta,
            "gate_W": gate_W, "W0": W0, "W1": W1, "W2": W2}


def reference(insample_y, ln_gamma, ln_beta, gate_W, W0, W1, W2):
    x = insample_y
    # gate: LayerNorm + Linear (no bias)
    mu = jnp.mean(x, axis=-1, keepdims=True)
    var = jnp.var(x, axis=-1, keepdims=True)
    xn = (x - mu) / jnp.sqrt(var + 1e-5) * ln_gamma + ln_beta
    gate_logits = xn @ gate_W                      # [N, E]
    # top-k sparse routing with softmax renormalization over selected experts
    top_vals, top_idx = jax.lax.top_k(gate_logits, K)   # [N, K]
    gates = jax.nn.softmax(top_vals, axis=-1)            # [N, K]

    def expert_fwd(w0, w1, w2):
        h = x @ w0                 # Linear(D,H), no activation (first hidden layer)
        h = jax.nn.relu(h @ w1)    # Linear(H,H) + ReLU
        return h @ w2              # output Linear(H, n_theta)

    all_theta = jax.vmap(expert_fwd)(W0, W1, W2)          # [E, N, NT]
    onehot = jax.nn.one_hot(top_idx, E, dtype=x.dtype)    # [N, K, E]
    w = jnp.sum(gates[..., None] * onehot, axis=1)        # [N, E] sparse mixture weights
    theta = jnp.einsum('ne,ent->nt', w, all_theta)        # [N, NT]
    # IdentityBasis: split theta into backcast / forecast
    backcast = theta[:, :BACK]
    forecast = theta[:, BACK:]
    return backcast, forecast

if __name__ == "__main__":
    import jax
    _d = setup_inputs()
    print(jax.jit(kernel)(*tuple(_d.values())))

</pallas_src>

<mosaic_0001>
#map = affine_map<(d0, d1) -> (0, 0)>
#map1 = affine_map<(d0, d1) -> (0)>
module attributes {stable_mosaic.version = 14 : i64} {
  func.func @_dispatch(%arg0: i32, %arg1: i32, %arg2: memref<2048x768xf32, #tpu.memory_space<hbm>>, %arg3: memref<2048xi32, #tpu.memory_space<hbm>>, %arg4: memref<2048xi32, #tpu.memory_space<hbm>>, %arg5: memref<8192x768xf32, #tpu.memory_space<hbm>>, %arg6: memref<64x768xf32, #tpu.memory_space<vmem>>, %arg7: memref<64xi32, #tpu.memory_space<vmem>>, %arg8: memref<64xi32, #tpu.memory_space<vmem>>, %arg9: memref<!tpu.dma_semaphore, #tpu.memory_space<semaphore_mem>>) attributes {dimension_semantics = [#tpu.dimension_semantics<core_parallel>, #tpu.dimension_semantics<subcore_parallel>], iteration_bounds = array<i64: 2, 16>, scalar_prefetch = 0 : i64, scratch_operands = 4 : i64, tpu.core_type = #tpu.core_type<sc_vector_subcore>, window_params = [{transform_indices = #map}, {transform_indices = #map1}, {transform_indices = #map1}, {transform_indices = #map}]} {
    %mul3A = arith.constant 2 : i32
    %mul3A_0 = arith.muli %arg1, %mul3A : i32
    %add3A = arith.addi %mul3A_0, %arg0 : i32
    %mul3A_1 = arith.constant 64 : i32
    %mul3A_2 = arith.muli %add3A, %mul3A_1 : i32
    "tpu.region"() ({
      %run_scoped3A = tpu.sem_alloc : memref<!tpu.dma_semaphore, #tpu.memory_space<semaphore_mem>>
      %dma_start3A_13 = arith.constant 0 : i32
      %dma_start3A_14 = tpu.memref_slice %arg2[%mul3A_2, %dma_start3A_13] : memref<2048x768xf32, #tpu.memory_space<hbm>> -> memref<64x768xf32, #tpu.memory_space<hbm>>
      %dma_start3A_15 = arith.constant 0 : i32
      %dma_start3A_16 = tpu.memref_slice %arg2[%mul3A_2, %dma_start3A_15] : memref<2048x768xf32, #tpu.memory_space<hbm>> -> memref<64x768xf32, #tpu.memory_space<hbm>>
      tpu.enqueue_dma source(%dma_start3A_16 : memref<64x768xf32, #tpu.memory_space<hbm>>) target(%arg6 : memref<64x768xf32, #tpu.memory_space<vmem>>) target_semaphore(%run_scoped3A : memref<!tpu.dma_semaphore, #tpu.memory_space<semaphore_mem>>)
      %dma_wait3A_17 = arith.constant 0 : i32
      %dma_wait3A_18 = tpu.memref_slice %arg2[%mul3A_2, %dma_wait3A_17] : memref<2048x768xf32, #tpu.memory_space<hbm>> -> memref<64x768xf32, #tpu.memory_space<hbm>>
      %dma_wait3A_19 = arith.constant 0 : i32
      %dma_wait3A_20 = tpu.memref_slice %arg2[%mul3A_2, %dma_wait3A_19] : memref<2048x768xf32, #tpu.memory_space<hbm>> -> memref<64x768xf32, #tpu.memory_space<hbm>>
      tpu.wait_dma2 semaphore(%run_scoped3A : memref<!tpu.dma_semaphore, #tpu.memory_space<semaphore_mem>>) src(%dma_wait3A_20 : memref<64x768xf32, #tpu.memory_space<hbm>>) dst(%arg6 : memref<64x768xf32, #tpu.memory_space<vmem>>)
      tpu.yield
    }) : () -> ()
    "tpu.region"() ({
      %run_scoped3A = tpu.sem_alloc : memref<!tpu.dma_semaphore, #tpu.memory_space<semaphore_mem>>
      %dma_start3A_13 = tpu.memref_slice %arg3[%mul3A_2] : memref<2048xi32, #tpu.memory_space<hbm>> -> memref<64xi32, #tpu.memory_space<hbm>>
      %dma_start3A_14 = tpu.memref_slice %arg3[%mul3A_2] : memref<2048xi32, #tpu.memory_space<hbm>> -> memref<64xi32, #tpu.memory_space<hbm>>
      tpu.enqueue_dma source(%dma_start3A_14 : memref<64xi32, #tpu.memory_space<hbm>>) target(%arg7 : memref<64xi32, #tpu.memory_space<vmem>>) target_semaphore(%run_scoped3A : memref<!tpu.dma_semaphore, #tpu.memory_space<semaphore_mem>>)
      %dma_wait3A_15 = tpu.memref_slice %arg3[%mul3A_2] : memref<2048xi32, #tpu.memory_space<hbm>> -> memref<64xi32, #tpu.memory_space<hbm>>
      %dma_wait3A_16 = tpu.memref_slice %arg3[%mul3A_2] : memref<2048xi32, #tpu.memory_space<hbm>> -> memref<64xi32, #tpu.memory_space<hbm>>
      tpu.wait_dma2 semaphore(%run_scoped3A : memref<!tpu.dma_semaphore, #tpu.memory_space<semaphore_mem>>) src(%dma_wait3A_16 : memref<64xi32, #tpu.memory_space<hbm>>) dst(%arg7 : memref<64xi32, #tpu.memory_space<vmem>>)
      tpu.yield
    }) : () -> ()
    "tpu.region"() ({
      %run_scoped3A = tpu.sem_alloc : memref<!tpu.dma_semaphore, #tpu.memory_space<semaphore_mem>>
      %dma_start3A_13 = tpu.memref_slice %arg4[%mul3A_2] : memref<2048xi32, #tpu.memory_space<hbm>> -> memref<64xi32, #tpu.memory_space<hbm>>
      %dma_start3A_14 = tpu.memref_slice %arg4[%mul3A_2] : memref<2048xi32, #tpu.memory_space<hbm>> -> memref<64xi32, #tpu.memory_space<hbm>>
      tpu.enqueue_dma source(%dma_start3A_14 : memref<64xi32, #tpu.memory_space<hbm>>) target(%arg8 : memref<64xi32, #tpu.memory_space<vmem>>) target_semaphore(%run_scoped3A : memref<!tpu.dma_semaphore, #tpu.memory_space<semaphore_mem>>)
      %dma_wait3A_15 = tpu.memref_slice %arg4[%mul3A_2] : memref<2048xi32, #tpu.memory_space<hbm>> -> memref<64xi32, #tpu.memory_space<hbm>>
      %dma_wait3A_16 = tpu.memref_slice %arg4[%mul3A_2] : memref<2048xi32, #tpu.memory_space<hbm>> -> memref<64xi32, #tpu.memory_space<hbm>>
      tpu.wait_dma2 semaphore(%run_scoped3A : memref<!tpu.dma_semaphore, #tpu.memory_space<semaphore_mem>>) src(%dma_wait3A_16 : memref<64xi32, #tpu.memory_space<hbm>>) dst(%arg8 : memref<64xi32, #tpu.memory_space<vmem>>)
      tpu.yield
    }) : () -> ()
    %dma_start3A = arith.constant 0 : i32
    %dma_start3A_3 = arith.constant 0 : i32
    %dma_start3A_4 = tpu.memref_slice %arg5[%dma_start3A, %dma_start3A_3] : memref<8192x768xf32, #tpu.memory_space<hbm>> -> memref<8192x768xf32, #tpu.memory_space<hbm>>
    tpu.enqueue_indirect_dma source(%arg6 : memref<64x768xf32, #tpu.memory_space<vmem>>) target(%dma_start3A_4 : memref<8192x768xf32, #tpu.memory_space<hbm>>) offsets(%arg7 : memref<64xi32, #tpu.memory_space<vmem>>) semaphore(%arg9 : memref<!tpu.dma_semaphore, #tpu.memory_space<semaphore_mem>>)
    %dma_start3A_5 = arith.constant 0 : i32
    %dma_start3A_6 = arith.constant 0 : i32
    %dma_start3A_7 = tpu.memref_slice %arg5[%dma_start3A_5, %dma_start3A_6] : memref<8192x768xf32, #tpu.memory_space<hbm>> -> memref<8192x768xf32, #tpu.memory_space<hbm>>
    tpu.enqueue_indirect_dma source(%arg6 : memref<64x768xf32, #tpu.memory_space<vmem>>) target(%dma_start3A_7 : memref<8192x768xf32, #tpu.memory_space<hbm>>) offsets(%arg8 : memref<64xi32, #tpu.memory_space<vmem>>) semaphore(%arg9 : memref<!tpu.dma_semaphore, #tpu.memory_space<semaphore_mem>>)
    %dma_wait3A = arith.constant 0 : i32
    %dma_wait3A_8 = arith.constant 0 : i32
    %dma_wait3A_9 = tpu.memref_slice %arg5[%dma_wait3A, %dma_wait3A_8] : memref<8192x768xf32, #tpu.memory_space<hbm>> -> memref<8192x768xf32, #tpu.memory_space<hbm>>
    tpu.wait_indirect_dma semaphore(%arg9 : memref<!tpu.dma_semaphore, #tpu.memory_space<semaphore_mem>>) src(%arg6 : memref<64x768xf32, #tpu.memory_space<vmem>>) dst(%dma_wait3A_9 : memref<8192x768xf32, #tpu.memory_space<hbm>>)
    %dma_wait3A_10 = arith.constant 0 : i32
    %dma_wait3A_11 = arith.constant 0 : i32
    %dma_wait3A_12 = tpu.memref_slice %arg5[%dma_wait3A_10, %dma_wait3A_11] : memref<8192x768xf32, #tpu.memory_space<hbm>> -> memref<8192x768xf32, #tpu.memory_space<hbm>>
    tpu.wait_indirect_dma semaphore(%arg9 : memref<!tpu.dma_semaphore, #tpu.memory_space<semaphore_mem>>) src(%arg6 : memref<64x768xf32, #tpu.memory_space<vmem>>) dst(%dma_wait3A_12 : memref<8192x768xf32, #tpu.memory_space<hbm>>)
    return
  }
}

module attributes {stable_mosaic.version = 14 : i64} {
  func.func @_gate_body(%arg0: memref<2048x768xf32, #tpu.memory_space<vmem>>, %arg1: memref<1x768xf32, #tpu.memory_space<vmem>>, %arg2: memref<1x768xf32, #tpu.memory_space<vmem>>, %arg3: memref<768x8xf32, #tpu.memory_space<vmem>>, %arg4: memref<2048x2xf32, #tpu.memory_space<vmem>>, %arg5: memref<2048x2xi32, #tpu.memory_space<vmem>>, %arg6: memref<16x3xi32, #tpu.memory_space<vmem>>) attributes {dimension_semantics = [], scalar_prefetch = 0 : i64, scratch_operands = 0 : i64, tpu.core_type = #tpu.core_type<tc>} {
    %get3A = arith.constant 0 : index
    %get3A_0 = arith.constant 0 : index
    %get3A_1 = vector.load %arg0[%get3A, %get3A_0] : memref<2048x768xf32, #tpu.memory_space<vmem>>, vector<2048x768xf32>
    %reduce_sum3A = arith.constant dense<0.000000e+00> : vector<2048xf32>
    %reduce_sum3A_2 = vector.multi_reduction <add>, %get3A_1, %reduce_sum3A [1] : vector<2048x768xf32> to vector<2048xf32>
    %broadcast_in_dim3A = vector.shape_cast %reduce_sum3A_2 : vector<2048xf32> to vector<2048x1xf32>
    %div3A = arith.constant 7.680000e+02 : f32
    %div3A_3 = vector.broadcast %div3A : f32 to vector<2048x1xf32>
    %div3A_4 = arith.divf %broadcast_in_dim3A, %div3A_3 : vector<2048x1xf32>
    %sub3A = vector.broadcast %div3A_4 : vector<2048x1xf32> to vector<2048x768xf32>
    %sub3A_5 = arith.subf %get3A_1, %sub3A : vector<2048x768xf32>
    %mul3A = arith.mulf %sub3A_5, %sub3A_5 : vector<2048x768xf32>
    %reduce_sum3A_6 = arith.constant dense<0.000000e+00> : vector<2048xf32>
    %reduce_sum3A_7 = vector.multi_reduction <add>, %mul3A, %reduce_sum3A_6 [1] : vector<2048x768xf32> to vector<2048xf32>
    %broadcast_in_dim3A_8 = vector.shape_cast %reduce_sum3A_7 : vector<2048xf32> to vector<2048x1xf32>
    %div3A_9 = arith.constant 7.680000e+02 : f32
    %div3A_10 = vector.broadcast %div3A_9 : f32 to vector<2048x1xf32>
    %div3A_11 = arith.divf %broadcast_in_dim3A_8, %div3A_10 : vector<2048x1xf32>
    %add3A = arith.constant 9.99999974E-6 : f32
    %add3A_12 = vector.broadcast %add3A : f32 to vector<2048x1xf32>
    %add3A_13 = arith.addf %div3A_11, %add3A_12 : vector<2048x1xf32>
    %rsqrt3A = math.rsqrt %add3A_13 : vector<2048x1xf32>
    %mul3A_14 = vector.broadcast %rsqrt3A : vector<2048x1xf32> to vector<2048x768xf32>
    %mul3A_15 = arith.mulf %sub3A_5, %mul3A_14 : vector<2048x768xf32>
    %get3A_16 = arith.constant 0 : index
    %get3A_17 = arith.constant 0 : index
    %get3A_18 = vector.load %arg1[%get3A_16, %get3A_17] : memref<1x768xf32, #tpu.memory_space<vmem>>, vector<1x768xf32>
    %mul3A_19 = vector.broadcast %get3A_18 : vector<1x768xf32> to vector<2048x768xf32>
    %mul3A_20 = arith.mulf %mul3A_15, %mul3A_19 : vector<2048x768xf32>
    %get3A_21 = arith.constant 0 : index
    %get3A_22 = arith.constant 0 : index
    %get3A_23 = vector.load %arg2[%get3A_21, %get3A_22] : memref<1x768xf32, #tpu.memory_space<vmem>>, vector<1x768xf32>
    %add3A_24 = vector.broadcast %get3A_23 : vector<1x768xf32> to vector<2048x768xf32>
    %add3A_25 = arith.addf %mul3A_20, %add3A_24 : vector<2048x768xf32>
    %get3A_26 = arith.constant 0 : index
    %get3A_27 = arith.constant 0 : index
    %get3A_28 = vector.load %arg3[%get3A_26, %get3A_27] : memref<768x8xf32, #tpu.memory_space<vmem>>, vector<768x8xf32>
    %dot_general3A = arith.constant dense<0.000000e+00> : vector<2048x8xf32>
    %dot_general3A_29 = tpu.matmul %add3A_25, %get3A_28, %dot_general3A {dimension_numbers = #tpu.dot_dimension_numbers<[1], [0], [0], [1], [0, 0, 1, 1], [], []>, transpose_lhs_hint = false} : vector<2048x768xf32>, vector<768x8xf32>, vector<2048x8xf32> -> vector<2048x8xf32>
    %iota3A = tpu.iota {dimensions = array<i32: 1>} : vector<2048x8xi32>
    %reduce_max3A = arith.constant dense<0xFF800000> : vector<2048xf32>
    %reduce_max3A_30 = vector.multi_reduction <maximumf>, %dot_general3A_29, %reduce_max3A [1] : vector<2048x8xf32> to vector<2048xf32>
    %broadcast_in_dim3A_31 = vector.shape_cast %reduce_max3A_30 : vector<2048xf32> to vector<2048x1xf32>
    %eq3A = vector.broadcast %broadcast_in_dim3A_31 : vector<2048x1xf32> to vector<2048x8xf32>
    %eq3A_32 = arith.cmpf oeq, %dot_general3A_29, %eq3A : vector<2048x8xf32>
    %jit3A = arith.constant 8 : i32
    %broadcast_in_dim3A_33 = vector.broadcast %jit3A : i32 to vector<2048x8xi32>
    %select_n3A = arith.select %eq3A_32, %iota3A, %broadcast_in_dim3A_33 : vector<2048x8xi1>, vector<2048x8xi32>
    %reduce_min3A = arith.constant dense<2147483647> : vector<2048xi32>
    %reduce_min3A_34 = vector.multi_reduction <minsi>, %select_n3A, %reduce_min3A [1] : vector<2048x8xi32> to vector<2048xi32>
    %broadcast_in_dim3A_35 = vector.shape_cast %reduce_min3A_34 : vector<2048xi32> to vector<2048x1xi32>
    %eq3A_36 = vector.broadcast %broadcast_in_dim3A_35 : vector<2048x1xi32> to vector<2048x8xi32>
    %eq3A_37 = arith.cmpi eq, %iota3A, %eq3A_36 : vector<2048x8xi32>
    %jit3A_38 = arith.constant 0xFF800000 : f32
    %broadcast_in_dim3A_39 = vector.broadcast %jit3A_38 : f32 to vector<2048x8xf32>
    %select_n3A_40 = arith.select %eq3A_37, %broadcast_in_dim3A_39, %dot_general3A_29 : vector<2048x8xi1>, vector<2048x8xf32>
    %reduce_max3A_41 = arith.constant dense<0xFF800000> : vector<2048xf32>
    %reduce_max3A_42 = vector.multi_reduction <maximumf>, %select_n3A_40, %reduce_max3A_41 [1] : vector<2048x8xf32> to vector<2048xf32>
    %broadcast_in_dim3A_43 = vector.shape_cast %reduce_max3A_42 : vector<2048xf32> to vector<2048x1xf32>
    %eq3A_44 = vector.broadcast %broadcast_in_dim3A_43 : vector<2048x1xf32> to vector<2048x8xf32>
    %eq3A_45 = arith.cmpf oeq, %select_n3A_40, %eq3A_44 : vector<2048x8xf32>
    %jit3A_46 = arith.constant 8 : i32
    %broadcast_in_dim3A_47 = vector.broadcast %jit3A_46 : i32 to vector<2048x8xi32>
    %select_n3A_48 = arith.select %eq3A_45, %iota3A, %broadcast_in_dim3A_47 : vector<2048x8xi1>, vector<2048x8xi32>
    %reduce_min3A_49 = arith.constant dense<2147483647> : vector<2048xi32>
    %reduce_min3A_50 = vector.multi_reduction <minsi>, %select_n3A_48, %reduce_min3A_49 [1] : vector<2048x8xi32> to vector<2048xi32>
    %broadcast_in_dim3A_51 = vector.shape_cast %reduce_min3A_50 : vector<2048xi32> to vector<2048x1xi32>
    %sub3A_52 = arith.subf %broadcast_in_dim3A_43, %broadcast_in_dim3A_31 : vector<2048x1xf32>
    %exp3A = math.exp %sub3A_52 : vector<2048x1xf32>
    %add3A_53 = arith.constant 1.000000e+00 : f32
    %add3A_54 = vector.broadcast %add3A_53 : f32 to vector<2048x1xf32>
    %add3A_55 = arith.addf %add3A_54, %exp3A : vector<2048x1xf32>
    %div3A_56 = arith.constant 1.000000e+00 : f32
    %div3A_57 = vector.broadcast %div3A_56 : f32 to vector<2048x1xf32>
    %div3A_58 = arith.divf %div3A_57, %add3A_55 : vector<2048x1xf32>
    %sub3A_59 = arith.constant 1.000000e+00 : f32
    %sub3A_60 = vector.broadcast %sub3A_59 : f32 to vector<2048x1xf32>
    %sub3A_61 = arith.subf %sub3A_60, %div3A_58 : vector<2048x1xf32>
    %concatenate3A = tpu.concatenate %div3A_58, %sub3A_61 in 1 : vector<2048x1xf32>, vector<2048x1xf32> -> vector<2048x2xf32>
    %swap3A = arith.constant 0 : index
    %swap3A_62 = arith.constant 0 : index
    %swap3A_63 = vector.load %arg4[%swap3A, %swap3A_62] : memref<2048x2xf32, #tpu.memory_space<vmem>>, vector<2048x2xf32>
    tpu.vector_store %arg4[%swap3A, %swap3A_62], %concatenate3A {strides = array<i32>} : memref<2048x2xf32, #tpu.memory_space<vmem>>, vector<2048x2xf32>,
    %eq3A_64 = vector.broadcast %broadcast_in_dim3A_35 : vector<2048x1xi32> to vector<2048x8xi32>
    %eq3A_65 = arith.cmpi eq, %iota3A, %eq3A_64 : vector<2048x8xi32>
    %convert_element_type3A = arith.extui %eq3A_65 : vector<2048x8xi1> to vector<2048x8xi32>
    %convert_element_type3A_66 = arith.sitofp %convert_element_type3A : vector<2048x8xi32> to vector<2048x8xf32>
    %convert_element_type3A_67 = arith.truncf %convert_element_type3A_66 : vector<2048x8xf32> to vector<2048x8xbf16>
    %eq3A_68 = vector.broadcast %broadcast_in_dim3A_51 : vector<2048x1xi32> to vector<2048x8xi32>
    %eq3A_69 = arith.cmpi eq, %iota3A, %eq3A_68 : vector<2048x8xi32>
    %convert_element_type3A_70 = arith.extui %eq3A_69 : vector<2048x8xi1> to vector<2048x8xi32>
    %convert_element_type3A_71 = arith.sitofp %convert_element_type3A_70 : vector<2048x8xi32> to vector<2048x8xf32>
    %convert_element_type3A_72 = arith.truncf %convert_element_type3A_71 : vector<2048x8xf32> to vector<2048x8xbf16>
    %iota3A_73 = tpu.iota {dimensions = array<i32: 0>} : vector<128x128xi32>
    %iota3A_74 = tpu.iota {dimensions = array<i32: 1>} : vector<128x128xi32>
    %le3A = arith.cmpi sle, %iota3A_74, %iota3A_73 : vector<128x128xi32>
    %convert_element_type3A_75 = arith.extui %le3A : vector<128x128xi1> to vector<128x128xi32>
    %convert_element_type3A_76 = arith.sitofp %convert_element_type3A_75 : vector<128x128xi32> to vector<128x128xf32>
    %convert_element_type3A_77 = arith.truncf %convert_element_type3A_76 : vector<128x128xf32> to vector<128x128xbf16>
    %broadcast_in_dim3A_78 = arith.constant 0.000000e+00 : f32
    %broadcast_in_dim3A_79 = vector.broadcast %broadcast_in_dim3A_78 : f32 to vector<1x8xf32>
    %slice3A = vector.extract_strided_slice %convert_element_type3A_67 {offsets = [0, 0], sizes = [128, 8], strides = [1, 1]} : vector<2048x8xbf16> to vector<128x8xbf16>
    %dot_general3A_80 = arith.constant dense<0.000000e+00> : vector<128x8xf32>
    %dot_general3A_81 = tpu.matmul %convert_element_type3A_77, %slice3A, %dot_general3A_80 {dimension_numbers = #tpu.dot_dimension_numbers<[1], [0], [0], [1], [0, 0, 1, 1], [], []>, transpose_lhs_hint = false} : vector<128x128xbf16>, vector<128x8xbf16>, vector<128x8xf32> -> vector<128x8xf32>
    %add3A_82 = vector.broadcast %broadcast_in_dim3A_79 : vector<1x8xf32> to vector<128x8xf32>
    %add3A_83 = arith.addf %dot_general3A_81, %add3A_82 : vector<128x8xf32>
    %sub3A_84 = arith.constant 1.000000e+00 : f32
    %sub3A_85 = vector.broadcast %sub3A_84 : f32 to vector<128x8xf32>
    %sub3A_86 = arith.subf %add3A_83, %sub3A_85 : vector<128x8xf32>
    %slice3A_87 = vector.extract_strided_slice %dot_general3A_81 {offsets = [127, 0], sizes = [1, 8], strides = [1, 1]} : vector<128x8xf32> to vector<1x8xf32>
    %add3A_88 = arith.addf %broadcast_in_dim3A_79, %slice3A_87 : vector<1x8xf32>
    %slice3A_89 = vector.extract_strided_slice %convert_element_type3A_67 {offsets = [128, 0], sizes = [128, 8], strides = [1, 1]} : vector<2048x8xbf16> to vector<128x8xbf16>
    %dot_general3A_90 = arith.constant dense<0.000000e+00> : vector<128x8xf32>
    %dot_general3A_91 = tpu.matmul %convert_element_type3A_77, %slice3A_89, %dot_general3A_90 {dimension_numbers = #tpu.dot_dimension_numbers<[1], [0], [0], [1], [0, 0, 1, 1], [], []>, transpose_lhs_hint = false} : vector<128x128xbf16>, vector<128x8xbf16>, vector<128x8xf32> -> vector<128x8xf32>
    %add3A_92 = vector.broadcast %add3A_88 : vector<1x8xf32> to vector<128x8xf32>
    %add3A_93 = arith.addf %dot_general3A_91, %add3A_92 : vector<128x8xf32>
    %sub3A_94 = arith.constant 1.000000e+00 : f32
    %sub3A_95 = vector.broadcast %sub3A_94 : f32 to vector<128x8xf32>
    %sub3A_96 = arith.subf %add3A_93, %sub3A_95 : vector<128x8xf32>
    %slice3A_97 = vector.extract_strided_slice %dot_general3A_91 {offsets = [127, 0], sizes = [1, 8], strides = [1, 1]} : vector<128x8xf32> to vector<1x8xf32>
    %add3A_98 = arith.addf %add3A_88, %slice3A_97 : vector<1x8xf32>
    %slice3A_99 = vector.extract_strided_slice %convert_element_type3A_67 {offsets = [256, 0], sizes = [128, 8], strides = [1, 1]} : vector<2048x8xbf16> to vector<128x8xbf16>
    %dot_general3A_100 = arith.constant dense<0.000000e+00> : vector<128x8xf32>
    %dot_general3A_101 = tpu.matmul %convert_element_type3A_77, %slice3A_99, %dot_general3A_100 {dimension_numbers = #tpu.dot_dimension_numbers<[1], [0], [0], [1], [0, 0, 1, 1], [], []>, transpose_lhs_hint = false} : vector<128x128xbf16>, vector<128x8xbf16>, vector<128x8xf32> -> vector<128x8xf32>
    %add3A_102 = vector.broadcast %add3A_98 : vector<1x8xf32> to vector<128x8xf32>
    %add3A_103 = arith.addf %dot_general3A_101, %add3A_102 : vector<128x8xf32>
    %sub3A_104 = arith.constant 1.000000e+00 : f32
    %sub3A_105 = vector.broadcast %sub3A_104 : f32 to vector<128x8xf32>
    %sub3A_106 = arith.subf %add3A_103, %sub3A_105 : vector<128x8xf32>
    %slice3A_107 = vector.extract_strided_slice %dot_general3A_101 {offsets = [127, 0], sizes = [1, 8], strides = [1, 1]} : vector<128x8xf32> to vector<1x8xf32>
    %add3A_108 = arith.addf %add3A_98, %slice3A_107 : vector<1x8xf32>
    %slice3A_109 = vector.extract_strided_slice %convert_element_type3A_67 {offsets = [384, 0], sizes = [128, 8], strides = [1, 1]} : vector<2048x8xbf16> to vector<128x8xbf16>
    %dot_general3A_110 = arith.constant dense<0.000000e+00> : vector<128x8xf32>
    %dot_general3A_111 = tpu.matmul %convert_element_type3A_77, %slice3A_109, %dot_general3A_110 {dimension_numbers = #tpu.dot_dimension_numbers<[1], [0], [0], [1], [0, 0, 1, 1], [], []>, transpose_lhs_hint = false} : vector<128x128xbf16>, vector<128x8xbf16>, vector<128x8xf32> -> vector<128x8xf32>
    %add3A_112 = vector.broadcast %add3A_108 : vector<1x8xf32> to vector<128x8xf32>
    %add3A_113 = arith.addf %dot_general3A_111, %add3A_112 : vector<128x8xf32>
    %sub3A_114 = arith.constant 1.000000e+00 : f32
    %sub3A_115 = vector.broadcast %sub3A_114 : f32 to vector<128x8xf32>
    %sub3A_116 = arith.subf %add3A_113, %sub3A_115 : vector<128x8xf32>
    %slice3A_117 = vector.extract_strided_slice %dot_general3A_111 {offsets = [127, 0], sizes = [1, 8], strides = [1, 1]} : vector<128x8xf32> to vector<1x8xf32>
    %add3A_118 = arith.addf %add3A_108, %slice3A_117 : vector<1x8xf32>
    %slice3A_119 = vector.extract_strided_slice %convert_element_type3A_67 {offsets = [512, 0], sizes = [128, 8], strides = [1, 1]} : vector<2048x8xbf16> to vector<128x8xbf16>
    %dot_general3A_120 = arith.constant dense<0.000000e+00> : vector<128x8xf32>
    %dot_general3A_121 = tpu.matmul %convert_element_type3A_77, %slice3A_119, %dot_general3A_120 {dimension_numbers = #tpu.dot_dimension_numbers<[1], [0], [0], [1], [0, 0, 1, 1], [], []>, transpose_lhs_hint = false} : vector<128x128xbf16>, vector<128x8xbf16>, vector<128x8xf32> -> vector<128x8xf32>
    %add3A_122 = vector.broadcast %add3A_118 : vector<1x8xf32> to vector<128x8xf32>
    %add3A_123 = arith.addf %dot_general3A_121, %add3A_122 : vector<128x8xf32>
    %sub3A_124 = arith.constant 1.000000e+00 : f32
    %sub3A_125 = vector.broadcast %sub3A_124 : f32 to vector<128x8xf32>
    %sub3A_126 = arith.subf %add3A_123, %sub3A_125 : vector<128x8xf32>
    %slice3A_127 = vector.extract_strided_slice %dot_general3A_121 {offsets = [127, 0], sizes = [1, 8], strides = [1, 1]} : vector<128x8xf32> to vector<1x8xf32>
    %add3A_128 = arith.addf %add3A_118, %slice3A_127 : vector<1x8xf32>
    %slice3A_129 = vector.extract_strided_slice %convert_element_type3A_67 {offsets = [640, 0], sizes = [128, 8], strides = [1, 1]} : vector<2048x8xbf16> to vector<128x8xbf16>
    %dot_general3A_130 = arith.constant dense<0.000000e+00> : vector<128x8xf32>
    %dot_general3A_131 = tpu.matmul %convert_element_type3A_77, %slice3A_129, %dot_general3A_130 {dimension_numbers = #tpu.dot_dimension_numbers<[1], [0], [0], [1], [0, 0, 1, 1], [], []>, transpose_lhs_hint = false} : vector<128x128xbf16>, vector<128x8xbf16>, vector<128x8xf32> -> vector<128x8xf32>
    %add3A_132 = vector.broadcast %add3A_128 : vector<1x8xf32> to vector<128x8xf32>
    %add3A_133 = arith.addf %dot_general3A_131, %add3A_132 : vector<128x8xf32>
    %sub3A_134 = arith.constant 1.000000e+00 : f32
    %sub3A_135 = vector.broadcast %sub3A_134 : f32 to vector<128x8xf32>
    %sub3A_136 = arith.subf %add3A_133, %sub3A_135 : vector<128x8xf32>
    %slice3A_137 = vector.extract_strided_slice %dot_general3A_131 {offsets = [127, 0], sizes = [1, 8], strides = [1, 1]} : vector<128x8xf32> to vector<1x8xf32>
    %add3A_138 = arith.addf %add3A_128, %slice3A_137 : vector<1x8xf32>
    %slice3A_139 = vector.extract_strided_slice %convert_element_type3A_67 {offsets = [768, 0], sizes = [128, 8], strides = [1, 1]} : vector<2048x8xbf16> to vector<128x8xbf16>
    %dot_general3A_140 = arith.constant dense<0.000000e+00> : vector<128x8xf32>
    %dot_general3A_141 = tpu.matmul %convert_element_type3A_77, %slice3A_139, %dot_general3A_140 {dimension_numbers = #tpu.dot_dimension_numbers<[1], [0], [0], [1], [0, 0, 1, 1], [], []>, transpose_lhs_hint = false} : vector<128x128xbf16>, vector<128x8xbf16>, vector<128x8xf32> -> vector<128x8xf32>
    %add3A_142 = vector.broadcast %add3A_138 : vector<1x8xf32> to vector<128x8xf32>
    %add3A_143 = arith.addf %dot_general3A_141, %add3A_142 : vector<128x8xf32>
    %sub3A_144 = arith.constant 1.000000e+00 : f32
    %sub3A_145 = vector.broadcast %sub3A_144 : f32 to vector<128x8xf32>
    %sub3A_146 = arith.subf %add3A_143, %sub3A_145 : vector<128x8xf32>
    %slice3A_147 = vector.extract_strided_slice %dot_general3A_141 {offsets = [127, 0], sizes = [1, 8], strides = [1, 1]} : vector<128x8xf32> to vector<1x8xf32>
    %add3A_148 = arith.addf %add3A_138, %slice3A_147 : vector<1x8xf32>
    %slice3A_149 = vector.extract_strided_slice %convert_element_type3A_67 {offsets = [896, 0], sizes = [128, 8], strides = [1, 1]} : vector<2048x8xbf16> to vector<128x8xbf16>
    %dot_general3A_150 = arith.constant dense<0.000000e+00> : vector<128x8xf32>
    %dot_general3A_151 = tpu.matmul %convert_element_type3A_77, %slice3A_149, %dot_general3A_150 {dimension_numbers = #tpu.dot_dimension_numbers<[1], [0], [0], [1], [0, 0, 1, 1], [], []>, transpose_lhs_hint = false} : vector<128x128xbf16>, vector<128x8xbf16>, vector<128x8xf32> -> vector<128x8xf32>
    %add3A_152 = vector.broadcast %add3A_148 : vector<1x8xf32> to vector<128x8xf32>
    %add3A_153 = arith.addf %dot_general3A_151, %add3A_152 : vector<128x8xf32>
    %sub3A_154 = arith.constant 1.000000e+00 : f32
    %sub3A_155 = vector.broadcast %sub3A_154 : f32 to vector<128x8xf32>
    %sub3A_156 = arith.subf %add3A_153, %sub3A_155 : vector<128x8xf32>
    %slice3A_157 = vector.extract_strided_slice %dot_general3A_151 {offsets = [127, 0], sizes = [1, 8], strides = [1, 1]} : vector<128x8xf32> to vector<1x8xf32>
    %add3A_158 = arith.addf %add3A_148, %slice3A_157 : vector<1x8xf32>
    %slice3A_159 = vector.extract_strided_slice %convert_element_type3A_67 {offsets = [1024, 0], sizes = [128, 8], strides = [1, 1]} : vector<2048x8xbf16> to vector<128x8xbf16>
    %dot_general3A_160 = arith.constant dense<0.000000e+00> : vector<128x8xf32>
    %dot_general3A_161 = tpu.matmul %convert_element_type3A_77, %slice3A_159, %dot_general3A_160 {dimension_numbers = #tpu.dot_dimension_numbers<[1], [0], [0], [1], [0, 0, 1, 1], [], []>, transpose_lhs_hint = false} : vector<128x128xbf16>, vector<128x8xbf16>, vector<128x8xf32> -> vector<128x8xf32>
    %add3A_162 = vector.broadcast %add3A_158 : vector<1x8xf32> to vector<128x8xf32>
    %add3A_163 = arith.addf %dot_general3A_161, %add3A_162 : vector<128x8xf32>
    %sub3A_164 = arith.constant 1.000000e+00 : f32
    %sub3A_165 = vector.broadcast %sub3A_164 : f32 to vector<128x8xf32>
    %sub3A_166 = arith.subf %add3A_163, %sub3A_165 : vector<128x8xf32>
    %slice3A_167 = vector.extract_strided_slice %dot_general3A_161 {offsets = [127, 0], sizes = [1, 8], strides = [1, 1]} : vector<128x8xf32> to vector<1x8xf32>
    %add3A_168 = arith.addf %add3A_158, %slice3A_167 : vector<1x8xf32>
    %slice3A_169 = vector.extract_strided_slice %convert_element_type3A_67 {offsets = [1152, 0], sizes = [128, 8], strides = [1, 1]} : vector<2048x8xbf16> to vector<128x8xbf16>
    %dot_general3A_170 = arith.constant dense<0.000000e+00> : vector<128x8xf32>
    %dot_general3A_171 = tpu.matmul %convert_element_type3A_77, %slice3A_169, %dot_general3A_170 {dimension_numbers = #tpu.dot_dimension_numbers<[1], [0], [0], [1], [0, 0, 1, 1], [], []>, transpose_lhs_hint = false} : vector<128x128xbf16>, vector<128x8xbf16>, vector<128x8xf32> -> vector<128x8xf32>
    %add3A_172 = vector.broadcast %add3A_168 : vector<1x8xf32> to vector<128x8xf32>
    %add3A_173 = arith.addf %dot_general3A_171, %add3A_172 : vector<128x8xf32>
    %sub3A_174 = arith.constant 1.000000e+00 : f32
    %sub3A_175 = vector.broadcast %sub3A_174 : f32 to vector<128x8xf32>
    %sub3A_176 = arith.subf %add3A_173, %sub3A_175 : vector<128x8xf32>
    %slice3A_177 = vector.extract_strided_slice %dot_general3A_171 {offsets = [127, 0], sizes = [1, 8], strides = [1, 1]} : vector<128x8xf32> to vector<1x8xf32>
    %add3A_178 = arith.addf %add3A_168, %slice3A_177 : vector<1x8xf32>
    %slice3A_179 = vector.extract_strided_slice %convert_element_type3A_67 {offsets = [1280, 0], sizes = [128, 8], strides = [1, 1]} : vector<2048x8xbf16> to vector<128x8xbf16>
    %dot_general3A_180 = arith.constant dense<0.000000e+00> : vector<128x8xf32>
    %dot_general3A_181 = tpu.matmul %convert_element_type3A_77, %slice3A_179, %dot_general3A_180 {dimension_numbers = #tpu.dot_dimension_numbers<[1], [0], [0], [1], [0, 0, 1, 1], [], []>, transpose_lhs_hint = false} : vector<128x128xbf16>, vector<128x8xbf16>, vector<128x8xf32> -> vector<128x8xf32>
    %add3A_182 = vector.broadcast %add3A_178 : vector<1x8xf32> to vector<128x8xf32>
    %add3A_183 = arith.addf %dot_general3A_181, %add3A_182 : vector<128x8xf32>
    %sub3A_184 = arith.constant 1.000000e+00 : f32
    %sub3A_185 = vector.broadcast %sub3A_184 : f32 to vector<128x8xf32>
    %sub3A_186 = arith.subf %add3A_183, %sub3A_185 : vector<128x8xf32>
    %slice3A_187 = vector.extract_strided_slice %dot_general3A_181 {offsets = [127, 0], sizes = [1, 8], strides = [1, 1]} : vector<128x8xf32> to vector<1x8xf32>
    %add3A_188 = arith.addf %add3A_178, %slice3A_187 : vector<1x8xf32>
    %slice3A_189 = vector.extract_strided_slice %convert_element_type3A_67 {offsets = [1408, 0], sizes = [128, 8], strides = [1, 1]} : vector<2048x8xbf16> to vector<128x8xbf16>
    %dot_general3A_190 = arith.constant dense<0.000000e+00> : vector<128x8xf32>
    %dot_general3A_191 = tpu.matmul %convert_element_type3A_77, %slice3A_189, %dot_general3A_190 {dimension_numbers = #tpu.dot_dimension_numbers<[1], [0], [0], [1], [0, 0, 1, 1], [], []>, transpose_lhs_hint = false} : vector<128x128xbf16>, vector<128x8xbf16>, vector<128x8xf32> -> vector<128x8xf32>
    %add3A_192 = vector.broadcast %add3A_188 : vector<1x8xf32> to vector<128x8xf32>
    %add3A_193 = arith.addf %dot_general3A_191, %add3A_192 : vector<128x8xf32>
    %sub3A_194 = arith.constant 1.000000e+00 : f32
    %sub3A_195 = vector.broadcast %sub3A_194 : f32 to vector<128x8xf32>
    %sub3A_196 = arith.subf %add3A_193, %sub3A_195 : vector<128x8xf32>
    %slice3A_197 = vector.extract_strided_slice %dot_general3A_191 {offsets = [127, 0], sizes = [1, 8], strides = [1, 1]} : vector<128x8xf32> to vector<1x8xf32>
    %add3A_198 = arith.addf %add3A_188, %slice3A_197 : vector<1x8xf32>
    %slice3A_199 = vector.extract_strided_slice %convert_element_type3A_67 {offsets = [1536, 0], sizes = [128, 8], strides = [1, 1]} : vector<2048x8xbf16> to vector<128x8xbf16>
    %dot_general3A_200 = arith.constant dense<0.000000e+00> : vector<128x8xf32>
    %dot_general3A_201 = tpu.matmul %convert_element_type3A_77, %slice3A_199, %dot_general3A_200 {dimension_numbers = #tpu.dot_dimension_numbers<[1], [0], [0], [1], [0, 0, 1, 1], [], []>, transpose_lhs_hint = false} : vector<128x128xbf16>, vector<128x8xbf16>, vector<128x8xf32> -> vector<128x8xf32>
    %add3A_202 = vector.broadcast %add3A_198 : vector<1x8xf32> to vector<128x8xf32>
    %add3A_203 = arith.addf %dot_general3A_201, %add3A_202 : vector<128x8xf32>
    %sub3A_204 = arith.constant 1.000000e+00 : f32
    %sub3A_205 = vector.broadcast %sub3A_204 : f32 to vector<128x8xf32>
    %sub3A_206 = arith.subf %add3A_203, %sub3A_205 : vector<128x8xf32>
    %slice3A_207 = vector.extract_strided_slice %dot_general3A_201 {offsets = [127, 0], sizes = [1, 8], strides = [1, 1]} : vector<128x8xf32> to vector<1x8xf32>
    %add3A_208 = arith.addf %add3A_198, %slice3A_207 : vector<1x8xf32>
    %slice3A_209 = vector.extract_strided_slice %convert_element_type3A_67 {offsets = [1664, 0], sizes = [128, 8], strides = [1, 1]} : vector<2048x8xbf16> to vector<128x8xbf16>
    %dot_general3A_210 = arith.constant dense<0.000000e+00> : vector<128x8xf32>
    %dot_general3A_211 = tpu.matmul %convert_element_type3A_77, %slice3A_209, %dot_general3A_210 {dimension_numbers = #tpu.dot_dimension_numbers<[1], [0], [0], [1], [0, 0, 1, 1], [], []>, transpose_lhs_hint = false} : vector<128x128xbf16>, vector<128x8xbf16>, vector<128x8xf32> -> vector<128x8xf32>
    %add3A_212 = vector.broadcast %add3A_208 : vector<1x8xf32> to vector<128x8xf32>
    %add3A_213 = arith.addf %dot_general3A_211, %add3A_212 : vector<128x8xf32>
    %sub3A_214 = arith.constant 1.000000e+00 : f32
    %sub3A_215 = vector.broadcast %sub3A_214 : f32 to vector<128x8xf32>
    %sub3A_216 = arith.subf %add3A_213, %sub3A_215 : vector<128x8xf32>
    %slice3A_217 = vector.extract_strided_slice %dot_general3A_211 {offsets = [127, 0], sizes = [1, 8], strides = [1, 1]} : vector<128x8xf32> to vector<1x8xf32>
    %add3A_218 = arith.addf %add3A_208, %slice3A_217 : vector<1x8xf32>
    %slice3A_219 = vector.extract_strided_slice %convert_element_type3A_67 {offsets = [1792, 0], sizes = [128, 8], strides = [1, 1]} : vector<2048x8xbf16> to vector<128x8xbf16>
    %dot_general3A_220 = arith.constant dense<0.000000e+00> : vector<128x8xf32>
    %dot_general3A_221 = tpu.matmul %convert_element_type3A_77, %slice3A_219, %dot_general3A_220 {dimension_numbers = #tpu.dot_dimension_numbers<[1], [0], [0], [1], [0, 0, 1, 1], [], []>, transpose_lhs_hint = false} : vector<128x128xbf16>, vector<128x8xbf16>, vector<128x8xf32> -> vector<128x8xf32>
    %add3A_222 = vector.broadcast %add3A_218 : vector<1x8xf32> to vector<128x8xf32>
    %add3A_223 = arith.addf %dot_general3A_221, %add3A_222 : vector<128x8xf32>
    %sub3A_224 = arith.constant 1.000000e+00 : f32
    %sub3A_225 = vector.broadcast %sub3A_224 : f32 to vector<128x8xf32>
    %sub3A_226 = arith.subf %add3A_223, %sub3A_225 : vector<128x8xf32>
    %slice3A_227 = vector.extract_strided_slice %dot_general3A_221 {offsets = [127, 0], sizes = [1, 8], strides = [1, 1]} : vector<128x8xf32> to vector<1x8xf32>
    %add3A_228 = arith.addf %add3A_218, %slice3A_227 : vector<1x8xf32>
    %slice3A_229 = vector.extract_strided_slice %convert_element_type3A_67 {offsets = [1920, 0], sizes = [128, 8], strides = [1, 1]} : vector<2048x8xbf16> to vector<128x8xbf16>
    %dot_general3A_230 = arith.constant dense<0.000000e+00> : vector<128x8xf32>
    %dot_general3A_231 = tpu.matmul %convert_element_type3A_77, %slice3A_229, %dot_general3A_230 {dimension_numbers = #tpu.dot_dimension_numbers<[1], [0], [0], [1], [0, 0, 1, 1], [], []>, transpose_lhs_hint = false} : vector<128x128xbf16>, vector<128x8xbf16>, vector<128x8xf32> -> vector<128x8xf32>
    %add3A_232 = vector.broadcast %add3A_228 : vector<1x8xf32> to vector<128x8xf32>
    %add3A_233 = arith.addf %dot_general3A_231, %add3A_232 : vector<128x8xf32>
    %sub3A_234 = arith.constant 1.000000e+00 : f32
    %sub3A_235 = vector.broadcast %sub3A_234 : f32 to vector<128x8xf32>
    %sub3A_236 = arith.subf %add3A_233, %sub3A_235 : vector<128x8xf32>
    %slice3A_237 = vector.extract_strided_slice %dot_general3A_231 {offsets = [127, 0], sizes = [1, 8], strides = [1, 1]} : vector<128x8xf32> to vector<1x8xf32>
    %add3A_238 = arith.addf %add3A_228, %slice3A_237 : vector<1x8xf32>
    %slice3A_239 = vector.extract_strided_slice %convert_element_type3A_72 {offsets = [0, 0], sizes = [128, 8], strides = [1, 1]} : vector<2048x8xbf16> to vector<128x8xbf16>
    %dot_general3A_240 = arith.constant dense<0.000000e+00> : vector<128x8xf32>
    %dot_general3A_241 = tpu.matmul %convert_element_type3A_77, %slice3A_239, %dot_general3A_240 {dimension_numbers = #tpu.dot_dimension_numbers<[1], [0], [0], [1], [0, 0, 1, 1], [], []>, transpose_lhs_hint = false} : vector<128x128xbf16>, vector<128x8xbf16>, vector<128x8xf32> -> vector<128x8xf32>
    %add3A_242 = vector.broadcast %add3A_238 : vector<1x8xf32> to vector<128x8xf32>
    %add3A_243 = arith.addf %dot_general3A_241, %add3A_242 : vector<128x8xf32>
    %sub3A_244 = arith.constant 1.000000e+00 : f32
    %sub3A_245 = vector.broadcast %sub3A_244 : f32 to vector<128x8xf32>
    %sub3A_246 = arith.subf %add3A_243, %sub3A_245 : vector<128x8xf32>
    %slice3A_247 = vector.extract_strided_slice %dot_general3A_241 {offsets = [127, 0], sizes = [1, 8], strides = [1, 1]} : vector<128x8xf32> to vector<1x8xf32>
    %add3A_248 = arith.addf %add3A_238, %slice3A_247 : vector<1x8xf32>
    %slice3A_249 = vector.extract_strided_slice %convert_element_type3A_72 {offsets = [128, 0], sizes = [128, 8], strides = [1, 1]} : vector<2048x8xbf16> to vector<128x8xbf16>
    %dot_general3A_250 = arith.constant dense<0.000000e+00> : vector<128x8xf32>
    %dot_general3A_251 = tpu.matmul %convert_element_type3A_77, %slice3A_249, %dot_general3A_250 {dimension_numbers = #tpu.dot_dimension_numbers<[1], [0], [0], [1], [0, 0, 1, 1], [], []>, transpose_lhs_hint = false} : vector<128x128xbf16>, vector<128x8xbf16>, vector<128x8xf32> -> vector<128x8xf32>
    %add3A_252 = vector.broadcast %add3A_248 : vector<1x8xf32> to vector<128x8xf32>
    %add3A_253 = arith.addf %dot_general3A_251, %add3A_252 : vector<128x8xf32>
    %sub3A_254 = arith.constant 1.000000e+00 : f32
    %sub3A_255 = vector.broadcast %sub3A_254 : f32 to vector<128x8xf32>
    %sub3A_256 = arith.subf %add3A_253, %sub3A_255 : vector<128x8xf32>
    %slice3A_257 = vector.extract_strided_slice %dot_general3A_251 {offsets = [127, 0], sizes = [1, 8], strides = [1, 1]} : vector<128x8xf32> to vector<1x8xf32>
    %add3A_258 = arith.addf %add3A_248, %slice3A_257 : vector<1x8xf32>
    %slice3A_259 = vector.extract_strided_slice %convert_element_type3A_72 {offsets = [256, 0], sizes = [128, 8], strides = [1, 1]} : vector<2048x8xbf16> to vector<128x8xbf16>
    %dot_general3A_260 = arith.constant dense<0.000000e+00> : vector<128x8xf32>
    %dot_general3A_261 = tpu.matmul %convert_element_type3A_77, %slice3A_259, %dot_general3A_260 {dimension_numbers = #tpu.dot_dimension_numbers<[1], [0], [0], [1], [0, 0, 1, 1], [], []>, transpose_lhs_hint = false} : vector<128x128xbf16>, vector<128x8xbf16>, vector<128x8xf32> -> vector<128x8xf32>
    %add3A_262 = vector.broadcast %add3A_258 : vector<1x8xf32> to vector<128x8xf32>
    %add3A_263 = arith.addf %dot_general3A_261, %add3A_262 : vector<128x8xf32>
    %sub3A_264 = arith.constant 1.000000e+00 : f32
    %sub3A_265 = vector.broadcast %sub3A_264 : f32 to vector<128x8xf32>
    %sub3A_266 = arith.subf %add3A_263, %sub3A_265 : vector<128x8xf32>
    %slice3A_267 = vector.extract_strided_slice %dot_general3A_261 {offsets = [127, 0], sizes = [1, 8], strides = [1, 1]} : vector<128x8xf32> to vector<1x8xf32>
    %add3A_268 = arith.addf %add3A_258, %slice3A_267 : vector<1x8xf32>
    %slice3A_269 = vector.extract_strided_slice %convert_element_type3A_72 {offsets = [384, 0], sizes = [128, 8], strides = [1, 1]} : vector<2048x8xbf16> to vector<128x8xbf16>
    %dot_general3A_270 = arith.constant dense<0.000000e+00> : vector<128x8xf32>
    %dot_general3A_271 = tpu.matmul %convert_element_type3A_77, %slice3A_269, %dot_general3A_270 {dimension_numbers = #tpu.dot_dimension_numbers<[1], [0], [0], [1], [0, 0, 1, 1], [], []>, transpose_lhs_hint = false} : vector<128x128xbf16>, vector<128x8xbf16>, vector<128x8xf32> -> vector<128x8xf32>
    %add3A_272 = vector.broadcast %add3A_268 : vector<1x8xf32> to vector<128x8xf32>
    %add3A_273 = arith.addf %dot_general3A_271, %add3A_272 : vector<128x8xf32>
    %sub3A_274 = arith.constant 1.000000e+00 : f32
    %sub3A_275 = vector.broadcast %sub3A_274 : f32 to vector<128x8xf32>
    %sub3A_276 = arith.subf %add3A_273, %sub3A_275 : vector<128x8xf32>
    %slice3A_277 = vector.extract_strided_slice %dot_general3A_271 {offsets = [127, 0], sizes = [1, 8], strides = [1, 1]} : vector<128x8xf32> to vector<1x8xf32>
    %add3A_278 = arith.addf %add3A_268, %slice3A_277 : vector<1x8xf32>
    %slice3A_279 = vector.extract_strided_slice %convert_element_type3A_72 {offsets = [512, 0], sizes = [128, 8], strides = [1, 1]} : vector<2048x8xbf16> to vector<128x8xbf16>
    %dot_general3A_280 = arith.constant dense<0.000000e+00> : vector<128x8xf32>
    %dot_general3A_281 = tpu.matmul %convert_element_type3A_77, %slice3A_279, %dot_general3A_280 {dimension_numbers = #tpu.dot_dimension_numbers<[1], [0], [0], [1], [0, 0, 1, 1], [], []>, transpose_lhs_hint = false} : vector<128x128xbf16>, vector<128x8xbf16>, vector<128x8xf32> -> vector<128x8xf32>
    %add3A_282 = vector.broadcast %add3A_278 : vector<1x8xf32> to vector<128x8xf32>
    %add3A_283 = arith.addf %dot_general3A_281, %add3A_282 : vector<128x8xf32>
    %sub3A_284 = arith.constant 1.000000e+00 : f32
    %sub3A_285 = vector.broadcast %sub3A_284 : f32 to vector<128x8xf32>
    %sub3A_286 = arith.subf %add3A_283, %sub3A_285 : vector<128x8xf32>
    %slice3A_287 = vector.extract_strided_slice %dot_general3A_281 {offsets = [127, 0], sizes = [1, 8], strides = [1, 1]} : vector<128x8xf32> to vector<1x8xf32>
    %add3A_288 = arith.addf %add3A_278, %slice3A_287 : vector<1x8xf32>
    %slice3A_289 = vector.extract_strided_slice %convert_element_type3A_72 {offsets = [640, 0], sizes = [128, 8], strides = [1, 1]} : vector<2048x8xbf16> to vector<128x8xbf16>
    %dot_general3A_290 = arith.constant dense<0.000000e+00> : vector<128x8xf32>
    %dot_general3A_291 = tpu.matmul %convert_element_type3A_77, %slice3A_289, %dot_general3A_290 {dimension_numbers = #tpu.dot_dimension_numbers<[1], [0], [0], [1], [0, 0, 1, 1], [], []>, transpose_lhs_hint = false} : vector<128x128xbf16>, vector<128x8xbf16>, vector<128x8xf32> -> vector<128x8xf32>
    %add3A_292 = vector.broadcast %add3A_288 : vector<1x8xf32> to vector<128x8xf32>
    %add3A_293 = arith.addf %dot_general3A_291, %add3A_292 : vector<128x8xf32>
    %sub3A_294 = arith.constant 1.000000e+00 : f32
    %sub3A_295 = vector.broadcast %sub3A_294 : f32 to vector<128x8xf32>
    %sub3A_296 = arith.subf %add3A_293, %sub3A_295 : vector<128x8xf32>
    %slice3A_297 = vector.extract_strided_slice %dot_general3A_291 {offsets = [127, 0], sizes = [1, 8], strides = [1, 1]} : vector<128x8xf32> to vector<1x8xf32>
    %add3A_298 = arith.addf %add3A_288, %slice3A_297 : vector<1x8xf32>
    %slice3A_299 = vector.extract_strided_slice %convert_element_type3A_72 {offsets = [768, 0], sizes = [128, 8], strides = [1, 1]} : vector<2048x8xbf16> to vector<128x8xbf16>
    %dot_general3A_300 = arith.constant dense<0.000000e+00> : vector<128x8xf32>
    %dot_general3A_301 = tpu.matmul %convert_element_type3A_77, %slice3A_299, %dot_general3A_300 {dimension_numbers = #tpu.dot_dimension_numbers<[1], [0], [0], [1], [0, 0, 1, 1], [], []>, transpose_lhs_hint = false} : vector<128x128xbf16>, vector<128x8xbf16>, vector<128x8xf32> -> vector<128x8xf32>
    %add3A_302 = vector.broadcast %add3A_298 : vector<1x8xf32> to vector<128x8xf32>
    %add3A_303 = arith.addf %dot_general3A_301, %add3A_302 : vector<128x8xf32>
    %sub3A_304 = arith.constant 1.000000e+00 : f32
    %sub3A_305 = vector.broadcast %sub3A_304 : f32 to vector<128x8xf32>
    %sub3A_306 = arith.subf %add3A_303, %sub3A_305 : vector<128x8xf32>
    %slice3A_307 = vector.extract_strided_slice %dot_general3A_301 {offsets = [127, 0], sizes = [1, 8], strides = [1, 1]} : vector<128x8xf32> to vector<1x8xf32>
    %add3A_308 = arith.addf %add3A_298, %slice3A_307 : vector<1x8xf32>
    %slice3A_309 = vector.extract_strided_slice %convert_element_type3A_72 {offsets = [896, 0], sizes = [128, 8], strides = [1, 1]} : vector<2048x8xbf16> to vector<128x8xbf16>
    %dot_general3A_310 = arith.constant dense<0.000000e+00> : vector<128x8xf32>
    %dot_general3A_311 = tpu.matmul %convert_element_type3A_77, %slice3A_309, %dot_general3A_310 {dimension_numbers = #tpu.dot_dimension_numbers<[1], [0], [0], [1], [0, 0, 1, 1], [], []>, transpose_lhs_hint = false} : vector<128x128xbf16>, vector<128x8xbf16>, vector<128x8xf32> -> vector<128x8xf32>
    %add3A_312 = vector.broadcast %add3A_308 : vector<1x8xf32> to vector<128x8xf32>
    %add3A_313 = arith.addf %dot_general3A_311, %add3A_312 : vector<128x8xf32>
    %sub3A_314 = arith.constant 1.000000e+00 : f32
    %sub3A_315 = vector.broadcast %sub3A_314 : f32 to vector<128x8xf32>
    %sub3A_316 = arith.subf %add3A_313, %sub3A_315 : vector<128x8xf32>
    %slice3A_317 = vector.extract_strided_slice %dot_general3A_311 {offsets = [127, 0], sizes = [1, 8], strides = [1, 1]} : vector<128x8xf32> to vector<1x8xf32>
    %add3A_318 = arith.addf %add3A_308, %slice3A_317 : vector<1x8xf32>
    %slice3A_319 = vector.extract_strided_slice %convert_element_type3A_72 {offsets = [1024, 0], sizes = [128, 8], strides = [1, 1]} : vector<2048x8xbf16> to vector<128x8xbf16>
    %dot_general3A_320 = arith.constant dense<0.000000e+00> : vector<128x8xf32>
    %dot_general3A_321 = tpu.matmul %convert_element_type3A_77, %slice3A_319, %dot_general3A_320 {dimension_numbers = #tpu.dot_dimension_numbers<[1], [0], [0], [1], [0, 0, 1, 1], [], []>, transpose_lhs_hint = false} : vector<128x128xbf16>, vector<128x8xbf16>, vector<128x8xf32> -> vector<128x8xf32>
    %add3A_322 = vector.broadcast %add3A_318 : vector<1x8xf32> to vector<128x8xf32>
    %add3A_323 = arith.addf %dot_general3A_321, %add3A_322 : vector<128x8xf32>
    %sub3A_324 = arith.constant 1.000000e+00 : f32
    %sub3A_325 = vector.broadcast %sub3A_324 : f32 to vector<128x8xf32>
    %sub3A_326 = arith.subf %add3A_323, %sub3A_325 : vector<128x8xf32>
    %slice3A_327 = vector.extract_strided_slice %dot_general3A_321 {offsets = [127, 0], sizes = [1, 8], strides = [1, 1]} : vector<128x8xf32> to vector<1x8xf32>
    %add3A_328 = arith.addf %add3A_318, %slice3A_327 : vector<1x8xf32>
    %slice3A_329 = vector.extract_strided_slice %convert_element_type3A_72 {offsets = [1152, 0], sizes = [128, 8], strides = [1, 1]} : vector<2048x8xbf16> to vector<128x8xbf16>
    %dot_general3A_330 = arith.constant dense<0.000000e+00> : vector<128x8xf32>
    %dot_general3A_331 = tpu.matmul %convert_element_type3A_77, %slice3A_329, %dot_general3A_330 {dimension_numbers = #tpu.dot_dimension_numbers<[1], [0], [0], [1], [0, 0, 1, 1], [], []>, transpose_lhs_hint = false} : vector<128x128xbf16>, vector<128x8xbf16>, vector<128x8xf32> -> vector<128x8xf32>
    %add3A_332 = vector.broadcast %add3A_328 : vector<1x8xf32> to vector<128x8xf32>
    %add3A_333 = arith.addf %dot_general3A_331, %add3A_332 : vector<128x8xf32>
    %sub3A_334 = arith.constant 1.000000e+00 : f32
    %sub3A_335 = vector.broadcast %sub3A_334 : f32 to vector<128x8xf32>
    %sub3A_336 = arith.subf %add3A_333, %sub3A_335 : vector<128x8xf32>
    %slice3A_337 = vector.extract_strided_slice %dot_general3A_331 {offsets = [127, 0], sizes = [1, 8], strides = [1, 1]} : vector<128x8xf32> to vector<1x8xf32>
    %add3A_338 = arith.addf %add3A_328, %slice3A_337 : vector<1x8xf32>
    %slice3A_339 = vector.extract_strided_slice %convert_element_type3A_72 {offsets = [1280, 0], sizes = [128, 8], strides = [1, 1]} : vector<2048x8xbf16> to vector<128x8xbf16>
    %dot_general3A_340 = arith.constant dense<0.000000e+00> : vector<128x8xf32>
    %dot_general3A_341 = tpu.matmul %convert_element_type3A_77, %slice3A_339, %dot_general3A_340 {dimension_numbers = #tpu.dot_dimension_numbers<[1], [0], [0], [1], [0, 0, 1, 1], [], []>, transpose_lhs_hint = false} : vector<128x128xbf16>, vector<128x8xbf16>, vector<128x8xf32> -> vector<128x8xf32>
    %add3A_342 = vector.broadcast %add3A_338 : vector<1x8xf32> to vector<128x8xf32>
    %add3A_343 = arith.addf %dot_general3A_341, %add3A_342 : vector<128x8xf32>
    %sub3A_344 = arith.constant 1.000000e+00 : f32
    %sub3A_345 = vector.broadcast %sub3A_344 : f32 to vector<128x8xf32>
    %sub3A_346 = arith.subf %add3A_343, %sub3A_345 : vector<128x8xf32>
    %slice3A_347 = vector.extract_strided_slice %dot_general3A_341 {offsets = [127, 0], sizes = [1, 8], strides = [1, 1]} : vector<128x8xf32> to vector<1x8xf32>
    %add3A_348 = arith.addf %add3A_338, %slice3A_347 : vector<1x8xf32>
    %slice3A_349 = vector.extract_strided_slice %convert_element_type3A_72 {offsets = [1408, 0], sizes = [128, 8], strides = [1, 1]} : vector<2048x8xbf16> to vector<128x8xbf16>
    %dot_general3A_350 = arith.constant dense<0.000000e+00> : vector<128x8xf32>
    %dot_general3A_351 = tpu.matmul %convert_element_type3A_77, %slice3A_349, %dot_general3A_350 {dimension_numbers = #tpu.dot_dimension_numbers<[1], [0], [0], [1], [0, 0, 1, 1], [], []>, transpose_lhs_hint = false} : vector<128x128xbf16>, vector<128x8xbf16>, vector<128x8xf32> -> vector<128x8xf32>
    %add3A_352 = vector.broadcast %add3A_348 : vector<1x8xf32> to vector<128x8xf32>
    %add3A_353 = arith.addf %dot_general3A_351, %add3A_352 : vector<128x8xf32>
    %sub3A_354 = arith.constant 1.000000e+00 : f32
    %sub3A_355 = vector.broadcast %sub3A_354 : f32 to vector<128x8xf32>
    %sub3A_356 = arith.subf %add3A_353, %sub3A_355 : vector<128x8xf32>
    %slice3A_357 = vector.extract_strided_slice %dot_general3A_351 {offsets = [127, 0], sizes = [1, 8], strides = [1, 1]} : vector<128x8xf32> to vector<1x8xf32>
    %add3A_358 = arith.addf %add3A_348, %slice3A_357 : vector<1x8xf32>
    %slice3A_359 = vector.extract_strided_slice %convert_element_type3A_72 {offsets = [1536, 0], sizes = [128, 8], strides = [1, 1]} : vector<2048x8xbf16> to vector<128x8xbf16>
    %dot_general3A_360 = arith.constant dense<0.000000e+00> : vector<128x8xf32>
    %dot_general3A_361 = tpu.matmul %convert_element_type3A_77, %slice3A_359, %dot_general3A_360 {dimension_numbers = #tpu.dot_dimension_numbers<[1], [0], [0], [1], [0, 0, 1, 1], [], []>, transpose_lhs_hint = false} : vector<128x128xbf16>, vector<128x8xbf16>, vector<128x8xf32> -> vector<128x8xf32>
    %add3A_362 = vector.broadcast %add3A_358 : vector<1x8xf32> to vector<128x8xf32>
    %add3A_363 = arith.addf %dot_general3A_361, %add3A_362 : vector<128x8xf32>
    %sub3A_364 = arith.constant 1.000000e+00 : f32
    %sub3A_365 = vector.broadcast %sub3A_364 : f32 to vector<128x8xf32>
    %sub3A_366 = arith.subf %add3A_363, %sub3A_365 : vector<128x8xf32>
    %slice3A_367 = vector.extract_strided_slice %dot_general3A_361 {offsets = [127, 0], sizes = [1, 8], strides = [1, 1]} : vector<128x8xf32> to vector<1x8xf32>
    %add3A_368 = arith.addf %add3A_358, %slice3A_367 : vector<1x8xf32>
    %slice3A_369 = vector.extract_strided_slice %convert_element_type3A_72 {offsets = [1664, 0], sizes = [128, 8], strides = [1, 1]} : vector<2048x8xbf16> to vector<128x8xbf16>
    %dot_general3A_370 = arith.constant dense<0.000000e+00> : vector<128x8xf32>
    %dot_general3A_371 = tpu.matmul %convert_element_type3A_77, %slice3A_369, %dot_general3A_370 {dimension_numbers = #tpu.dot_dimension_numbers<[1], [0], [0], [1], [0, 0, 1, 1], [], []>, transpose_lhs_hint = false} : vector<128x128xbf16>, vector<128x8xbf16>, vector<128x8xf32> -> vector<128x8xf32>
    %add3A_372 = vector.broadcast %add3A_368 : vector<1x8xf32> to vector<128x8xf32>
    %add3A_373 = arith.addf %dot_general3A_371, %add3A_372 : vector<128x8xf32>
    %sub3A_374 = arith.constant 1.000000e+00 : f32
    %sub3A_375 = vector.broadcast %sub3A_374 : f32 to vector<128x8xf32>
    %sub3A_376 = arith.subf %add3A_373, %sub3A_375 : vector<128x8xf32>
    %slice3A_377 = vector.extract_strided_slice %dot_general3A_371 {offsets = [127, 0], sizes = [1, 8], strides = [1, 1]} : vector<128x8xf32> to vector<1x8xf32>
    %add3A_378 = arith.addf %add3A_368, %slice3A_377 : vector<1x8xf32>
    %slice3A_379 = vector.extract_strided_slice %convert_element_type3A_72 {offsets = [1792, 0], sizes = [128, 8], strides = [1, 1]} : vector<2048x8xbf16> to vector<128x8xbf16>
    %dot_general3A_380 = arith.constant dense<0.000000e+00> : vector<128x8xf32>
    %dot_general3A_381 = tpu.matmul %convert_element_type3A_77, %slice3A_379, %dot_general3A_380 {dimension_numbers = #tpu.dot_dimension_numbers<[1], [0], [0], [1], [0, 0, 1, 1], [], []>, transpose_lhs_hint = false} : vector<128x128xbf16>, vector<128x8xbf16>, vector<128x8xf32> -> vector<128x8xf32>
    %add3A_382 = vector.broadcast %add3A_378 : vector<1x8xf32> to vector<128x8xf32>
    %add3A_383 = arith.addf %dot_general3A_381, %add3A_382 : vector<128x8xf32>
    %sub3A_384 = arith.constant 1.000000e+00 : f32
    %sub3A_385 = vector.broadcast %sub3A_384 : f32 to vector<128x8xf32>
    %sub3A_386 = arith.subf %add3A_383, %sub3A_385 : vector<128x8xf32>
    %slice3A_387 = vector.extract_strided_slice %dot_general3A_381 {offsets = [127, 0], sizes = [1, 8], strides = [1, 1]} : vector<128x8xf32> to vector<1x8xf32>
    %add3A_388 = arith.addf %add3A_378, %slice3A_387 : vector<1x8xf32>
    %slice3A_389 = vector.extract_strided_slice %convert_element_type3A_72 {offsets = [1920, 0], sizes = [128, 8], strides = [1, 1]} : vector<2048x8xbf16> to vector<128x8xbf16>
    %dot_general3A_390 = arith.constant dense<0.000000e+00> : vector<128x8xf32>
    %dot_general3A_391 = tpu.matmul %convert_element_type3A_77, %slice3A_389, %dot_general3A_390 {dimension_numbers = #tpu.dot_dimension_numbers<[1], [0], [0], [1], [0, 0, 1, 1], [], []>, transpose_lhs_hint = false} : vector<128x128xbf16>, vector<128x8xbf16>, vector<128x8xf32> -> vector<128x8xf32>
    %add3A_392 = vector.broadcast %add3A_388 : vector<1x8xf32> to vector<128x8xf32>
    %add3A_393 = arith.addf %dot_general3A_391, %add3A_392 : vector<128x8xf32>
    %sub3A_394 = arith.constant 1.000000e+00 : f32
    %sub3A_395 = vector.broadcast %sub3A_394 : f32 to vector<128x8xf32>
    %sub3A_396 = arith.subf %add3A_393, %sub3A_395 : vector<128x8xf32>
    %slice3A_397 = vector.extract_strided_slice %dot_general3A_391 {offsets = [127, 0], sizes = [1, 8], strides = [1, 1]} : vector<128x8xf32> to vector<1x8xf32>
    %add3A_398 = arith.addf %add3A_388, %slice3A_397 : vector<1x8xf32>
    %concatenate3A_399 = tpu.concatenate %sub3A_86, %sub3A_96, %sub3A_106, %sub3A_116, %sub3A_126, %sub3A_136, %sub3A_146, %sub3A_156, %sub3A_166, %sub3A_176, %sub3A_186, %sub3A_196, %sub3A_206, %sub3A_216, %sub3A_226, %sub3A_236 in 0 : vector<128x8xf32>, vector<128x8xf32>, vector<128x8xf32>, vector<128x8xf32>, vector<128x8xf32>, vector<128x8xf32>, vector<128x8xf32>, vector<128x8xf32>, vector<128x8xf32>, vector<128x8xf32>, vector<128x8xf32>, vector<128x8xf32>, vector<128x8xf32>, vector<128x8xf32>, vector<128x8xf32>, vector<128x8xf32> -> vector<2048x8xf32>
    %convert_element_type3A_400 = arith.fptosi %concatenate3A_399 : vector<2048x8xf32> to vector<2048x8xi32>
    %concatenate3A_401 = tpu.concatenate %sub3A_246, %sub3A_256, %sub3A_266, %sub3A_276, %sub3A_286, %sub3A_296, %sub3A_306, %sub3A_316, %sub3A_326, %sub3A_336, %sub3A_346, %sub3A_356, %sub3A_366, %sub3A_376, %sub3A_386, %sub3A_396 in 0 : vector<128x8xf32>, vector<128x8xf32>, vector<128x8xf32>, vector<128x8xf32>, vector<128x8xf32>, vector<128x8xf32>, vector<128x8xf32>, vector<128x8xf32>, vector<128x8xf32>, vector<128x8xf32>, vector<128x8xf32>, vector<128x8xf32>, vector<128x8xf32>, vector<128x8xf32>, vector<128x8xf32>, vector<128x8xf32> -> vector<2048x8xf32>
    %convert_element_type3A_402 = arith.fptosi %concatenate3A_401 : vector<2048x8xf32> to vector<2048x8xi32>
    %convert_element_type3A_403 = arith.fptosi %add3A_398 : vector<1x8xf32> to vector<1x8xi32>
    %add3A_404 = arith.constant 511 : i32
    %add3A_405 = vector.broadcast %add3A_404 : i32 to vector<1x8xi32>
    %add3A_406 = arith.addi %convert_element_type3A_403, %add3A_405 : vector<1x8xi32>
    %jit3A_407 = arith.constant 512 : i32
    %div3A_408 = vector.broadcast %jit3A_407 : i32 to vector<1x8xi32>
    %div3A_409 = arith.divsi %add3A_406, %div3A_408 : vector<1x8xi32>
    %sign3A = arith.constant 0 : i32
    %sign3A_410 = vector.broadcast %sign3A : i32 to vector<1x8xi32>
    %sign3A_411 = arith.cmpi sgt, %add3A_406, %sign3A_410 : vector<1x8xi32>
    %sign3A_412 = arith.extui %sign3A_411 : vector<1x8xi1> to vector<1x8xi32>
    %sign3A_413 = arith.constant 0 : i32
    %sign3A_414 = vector.broadcast %sign3A_413 : i32 to vector<1x8xi32>
    %sign3A_415 = arith.cmpi slt, %add3A_406, %sign3A_414 : vector<1x8xi32>
    %sign3A_416 = arith.extui %sign3A_415 : vector<1x8xi1> to vector<1x8xi32>
    %sign3A_417 = arith.subi %sign3A_412, %sign3A_416 : vector<1x8xi32>
    %sign3A_418 = arith.constant 0 : i32
    %sign3A_419 = arith.cmpi sgt, %jit3A_407, %sign3A_418 : i32
    %sign3A_420 = arith.extui %sign3A_419 : i1 to i32
    %sign3A_421 = arith.constant 0 : i32
    %sign3A_422 = arith.cmpi slt, %jit3A_407, %sign3A_421 : i32
    %sign3A_423 = arith.extui %sign3A_422 : i1 to i32
    %sign3A_424 = arith.subi %sign3A_420, %sign3A_423 : i32
    %ne3A = vector.broadcast %sign3A_424 : i32 to vector<1x8xi32>
    %ne3A_425 = arith.cmpi ne, %sign3A_417, %ne3A : vector<1x8xi32>
    %rem3A = vector.broadcast %jit3A_407 : i32 to vector<1x8xi32>
    %rem3A_426 = arith.remsi %add3A_406, %rem3A : vector<1x8xi32>
    %ne3A_427 = arith.constant 0 : i32
    %ne3A_428 = vector.broadcast %ne3A_427 : i32 to vector<1x8xi32>
    %ne3A_429 = arith.cmpi ne, %rem3A_426, %ne3A_428 : vector<1x8xi32>
    %and3A = arith.andi %ne3A_425, %ne3A_429 : vector<1x8xi1>
    %sub3A_430 = arith.constant 1 : i32
    %sub3A_431 = vector.broadcast %sub3A_430 : i32 to vector<1x8xi32>
    %sub3A_432 = arith.subi %div3A_409, %sub3A_431 : vector<1x8xi32>
    %select_n3A_433 = arith.select %and3A, %sub3A_432, %div3A_409 : vector<1x8xi1>, vector<1x8xi32>
    %broadcast_in_dim3A_434 = arith.constant 0 : i32
    %broadcast_in_dim3A_435 = vector.broadcast %broadcast_in_dim3A_434 : i32 to vector<1x1xi32>
    %slice3A_436 = vector.extract_strided_slice %select_n3A_433 {offsets = [0, 0], sizes = [1, 7], strides = [1, 1]} : vector<1x8xi32> to vector<1x7xi32>
    %concatenate3A_437 = tpu.concatenate %broadcast_in_dim3A_435, %slice3A_436 in 1 : vector<1x1xi32>, vector<1x7xi32> -> vector<1x8xi32>
    %add3A_438 = arith.addi %select_n3A_433, %concatenate3A_437 : vector<1x8xi32>
    %broadcast_in_dim3A_439 = arith.constant 0 : i32
    %broadcast_in_dim3A_440 = vector.broadcast %broadcast_in_dim3A_439 : i32 to vector<1x2xi32>
    %slice3A_441 = vector.extract_strided_slice %add3A_438 {offsets = [0, 0], sizes = [1, 6], strides = [1, 1]} : vector<1x8xi32> to vector<1x6xi32>
    %concatenate3A_442 = tpu.concatenate %broadcast_in_dim3A_440, %slice3A_441 in 1 : vector<1x2xi32>, vector<1x6xi32> -> vector<1x8xi32>
    %add3A_443 = arith.addi %add3A_438, %concatenate3A_442 : vector<1x8xi32>
    %broadcast_in_dim3A_444 = arith.constant 0 : i32
    %broadcast_in_dim3A_445 = vector.broadcast %broadcast_in_dim3A_444 : i32 to vector<1x4xi32>
    %slice3A_446 = vector.extract_strided_slice %add3A_443 {offsets = [0, 0], sizes = [1, 4], strides = [1, 1]} : vector<1x8xi32> to vector<1x4xi32>
    %concatenate3A_447 = tpu.concatenate %broadcast_in_dim3A_445, %slice3A_446 in 1 : vector<1x4xi32>, vector<1x4xi32> -> vector<1x8xi32>
    %add3A_448 = arith.addi %add3A_443, %concatenate3A_447 : vector<1x8xi32>
    %sub3A_449 = arith.subi %add3A_448, %select_n3A_433 : vector<1x8xi32>
    %mul3A_450 = arith.constant 512 : i32
    %mul3A_451 = vector.broadcast %mul3A_450 : i32 to vector<1x8xi32>
    %mul3A_452 = arith.muli %sub3A_449, %mul3A_451 : vector<1x8xi32>
    %eq3A_453 = vector.broadcast %broadcast_in_dim3A_35 : vector<2048x1xi32> to vector<2048x8xi32>
    %eq3A_454 = arith.cmpi eq, %iota3A, %eq3A_453 : vector<2048x8xi32>
    %add3A_455 = vector.broadcast %mul3A_452 : vector<1x8xi32> to vector<2048x8xi32>
    %add3A_456 = arith.addi %add3A_455, %convert_element_type3A_400 : vector<2048x8xi32>
    %jit3A_457 = arith.constant 0 : i32
    %broadcast_in_dim3A_458 = vector.broadcast %jit3A_457 : i32 to vector<2048x8xi32>
    %select_n3A_459 = arith.select %eq3A_454, %add3A_456, %broadcast_in_dim3A_458 : vector<2048x8xi1>, vector<2048x8xi32>
    %reduce_sum3A_460 = arith.constant dense<0> : vector<2048xi32>
    %reduce_sum3A_461 = vector.multi_reduction <add>, %select_n3A_459, %reduce_sum3A_460 [1] : vector<2048x8xi32> to vector<2048xi32>
    %broadcast_in_dim3A_462 = vector.shape_cast %reduce_sum3A_461 : vector<2048xi32> to vector<2048x1xi32>
    %eq3A_463 = vector.broadcast %broadcast_in_dim3A_51 : vector<2048x1xi32> to vector<2048x8xi32>
    %eq3A_464 = arith.cmpi eq, %iota3A, %eq3A_463 : vector<2048x8xi32>
    %add3A_465 = vector.broadcast %mul3A_452 : vector<1x8xi32> to vector<2048x8xi32>
    %add3A_466 = arith.addi %add3A_465, %convert_element_type3A_402 : vector<2048x8xi32>
    %jit3A_467 = arith.constant 0 : i32
    %broadcast_in_dim3A_468 = vector.broadcast %jit3A_467 : i32 to vector<2048x8xi32>
    %select_n3A_469 = arith.select %eq3A_464, %add3A_466, %broadcast_in_dim3A_468 : vector<2048x8xi1>, vector<2048x8xi32>
    %reduce_sum3A_470 = arith.constant dense<0> : vector<2048xi32>
    %reduce_sum3A_471 = vector.multi_reduction <add>, %select_n3A_469, %reduce_sum3A_470 [1] : vector<2048x8xi32> to vector<2048xi32>
    %broadcast_in_dim3A_472 = vector.shape_cast %reduce_sum3A_471 : vector<2048xi32> to vector<2048x1xi32>
    %concatenate3A_473 = tpu.concatenate %broadcast_in_dim3A_462, %broadcast_in_dim3A_472 in 1 : vector<2048x1xi32>, vector<2048x1xi32> -> vector<2048x2xi32>
    %swap3A_474 = arith.constant 0 : index
    %swap3A_475 = arith.constant 0 : index
    %swap3A_476 = vector.load %arg5[%swap3A_474, %swap3A_475] : memref<2048x2xi32, #tpu.memory_space<vmem>>, vector<2048x2xi32>
    tpu.vector_store %arg5[%swap3A_474, %swap3A_475], %concatenate3A_473 {strides = array<i32>} : memref<2048x2xi32, #tpu.memory_space<vmem>>, vector<2048x2xi32>,
    %reduce_max3A_477 = vector.shape_cast %add3A_448 : vector<1x8xi32> to vector<1x1x8xi32>
    %reduce_max3A_478 = arith.constant dense<-2147483648> : vector<1xi32>
    %reduce_max3A_479 = vector.multi_reduction <maxsi>, %reduce_max3A_477, %reduce_max3A_478 [1, 2] : vector<1x1x8xi32> to vector<1xi32>
    %reduce_max3A_480 = vector.shape_cast %reduce_max3A_479 : vector<1xi32> to vector<1x1x1xi32>
    %reduce_max3A_481 = vector.extract %reduce_max3A_480[0, 0, 0] : i32 from vector<1x1x1xi32>
    %iota3A_482 = tpu.iota {dimensions = array<i32: 0>} : vector<16x8xi32>
    %broadcast_in_dim3A_483 = vector.shape_cast %add3A_448 : vector<1x8xi32> to vector<1x8xi32>
    %broadcast_in_dim3A_484 = vector.broadcast %broadcast_in_dim3A_483 : vector<1x8xi32> to vector<16x8xi32>
    %ge3A = arith.cmpi sge, %iota3A_482, %broadcast_in_dim3A_484 : vector<16x8xi32>
    %convert_element_type3A_485 = arith.extui %ge3A : vector<16x8xi1> to vector<16x8xi32>
    %reduce_sum3A_486 = arith.constant dense<0> : vector<16xi32>
    %reduce_sum3A_487 = vector.multi_reduction <add>, %convert_element_type3A_485, %reduce_sum3A_486 [1] : vector<16x8xi32> to vector<16xi32>
    %broadcast_in_dim3A_488 = vector.shape_cast %reduce_sum3A_487 : vector<16xi32> to vector<16x1xi32>
    %min3A = arith.constant 7 : i32
    %min3A_489 = vector.broadcast %min3A : i32 to vector<16x1xi32>
    %min3A_490 = arith.minsi %broadcast_in_dim3A_488, %min3A_489 : vector<16x1xi32>
    %slice3A_491 = vector.extract_strided_slice %iota3A_482 {offsets = [0, 0], sizes = [16, 1], strides = [1, 1]} : vector<16x8xi32> to vector<16x1xi32>
    %sub3A_492 = arith.constant 1 : i32
    %sub3A_493 = arith.subi %reduce_max3A_481, %sub3A_492 : i32
    %min3A_494 = vector.broadcast %sub3A_493 : i32 to vector<16x1xi32>
    %min3A_495 = arith.minsi %slice3A_491, %min3A_494 : vector<16x1xi32>
    %lt3A = vector.broadcast %reduce_max3A_481 : i32 to vector<16x1xi32>
    %lt3A_496 = arith.cmpi slt, %slice3A_491, %lt3A : vector<16x1xi32>
    %convert_element_type3A_497 = arith.extui %lt3A_496 : vector<16x1xi1> to vector<16x1xi32>
    %concatenate3A_498 = tpu.concatenate %min3A_490, %min3A_495, %convert_element_type3A_497 in 1 : vector<16x1xi32>, vector<16x1xi32>, vector<16x1xi32> -> vector<16x3xi32>
    %swap3A_499 = arith.constant 0 : index
    %swap3A_500 = arith.constant 0 : index
    %swap3A_501 = vector.load %arg6[%swap3A_499, %swap3A_500] : memref<16x3xi32, #tpu.memory_space<vmem>>, vector<16x3xi32>
    tpu.vector_store %arg6[%swap3A_499, %swap3A_500], %concatenate3A_498 {strides = array<i32>} : memref<16x3xi32, #tpu.memory_space<vmem>>, vector<16x3xi32>,
    return
  }
}

module attributes {stable_mosaic.version = 14 : i64} {
  func.func @_moe_body(%arg0: i32, %arg1: memref<16xi32, #tpu.memory_space<smem>>, %arg2: memref<16xi32, #tpu.memory_space<smem>>, %arg3: memref<16xi32, #tpu.memory_space<smem>>, %arg4: memref<512x768xf32, #tpu.memory_space<vmem>>, %arg5: memref<1x768x768xf32, #tpu.memory_space<vmem>>, %arg6: memref<1x768x768xf32, #tpu.memory_space<vmem>>, %arg7: memref<768x960xf32, #tpu.memory_space<vmem>>, %arg8: memref<512x960xf32, #tpu.memory_space<vmem>>) attributes {dimension_semantics = [#tpu.dimension_semantics<arbitrary>], iteration_bounds = array<i64: 16>, scalar_prefetch = 3 : i64, scratch_operands = 0 : i64, tpu.core_type = #tpu.core_type<tc>, window_params = [{transform_indices = @transform_0, window_bounds = array<i64: 512, 768>}, {transform_indices = @transform_1, window_bounds = array<i64: 1, 768, 768>}, {transform_indices = @transform_2, window_bounds = array<i64: 1, 768, 768>}, {transform_indices = @transform_3, window_bounds = array<i64: 768, 960>}, {transform_indices = @transform_4, window_bounds = array<i64: 512, 960>}]} {
    %get3A = arith.index_cast %arg0 : i32 to index
    %get3A_0 = memref.load %arg3[%get3A] : memref<16xi32, #tpu.memory_space<smem>>
    %gt3A = arith.constant 0 : i32
    %gt3A_1 = arith.cmpi sgt, %get3A_0, %gt3A : i32
    %convert_element_type3A = arith.extui %gt3A_1 : i1 to i32
    %cond3A = arith.constant 0 : i32
    %cond3A_2 = arith.cmpi ne, %convert_element_type3A, %cond3A : i32
    scf.if %cond3A_2 {
      %get3A_3 = arith.constant 0 : index
      %get3A_4 = arith.constant 0 : index
      %get3A_5 = vector.load %arg4[%get3A_3, %get3A_4] : memref<512x768xf32, #tpu.memory_space<vmem>>, vector<512x768xf32>
      %get3A_6 = arith.constant 0 : index
      %get3A_7 = arith.constant 0 : index
      %get3A_8 = arith.constant 0 : index
      %get3A_9 = vector.load %arg5[%get3A_6, %get3A_7, %get3A_8] : memref<1x768x768xf32, #tpu.memory_space<vmem>>, vector<1x768x768xf32>
      %get3A_10 = vector.shape_cast %get3A_9 : vector<1x768x768xf32> to vector<768x768xf32>
      %dot_general3A = arith.constant dense<0.000000e+00> : vector<512x768xf32>
      %dot_general3A_11 = tpu.matmul %get3A_5, %get3A_10, %dot_general3A {dimension_numbers = #tpu.dot_dimension_numbers<[1], [0], [0], [1], [0, 0, 1, 1], [], []>, transpose_lhs_hint = false} : vector<512x768xf32>, vector<768x768xf32>, vector<512x768xf32> -> vector<512x768xf32>
      %get3A_12 = arith.constant 0 : index
      %get3A_13 = arith.constant 0 : index
      %get3A_14 = arith.constant 0 : index
      %get3A_15 = vector.load %arg6[%get3A_12, %get3A_13, %get3A_14] : memref<1x768x768xf32, #tpu.memory_space<vmem>>, vector<1x768x768xf32>
      %get3A_16 = vector.shape_cast %get3A_15 : vector<1x768x768xf32> to vector<768x768xf32>
      %dot_general3A_17 = arith.constant dense<0.000000e+00> : vector<512x768xf32>
      %dot_general3A_18 = tpu.matmul %dot_general3A_11, %get3A_16, %dot_general3A_17 {dimension_numbers = #tpu.dot_dimension_numbers<[1], [0], [0], [1], [0, 0, 1, 1], [], []>, transpose_lhs_hint = false} : vector<512x768xf32>, vector<768x768xf32>, vector<512x768xf32> -> vector<512x768xf32>
      %max3A = arith.constant 0.000000e+00 : f32
      %max3A_19 = vector.broadcast %max3A : f32 to vector<512x768xf32>
      %max3A_20 = arith.maximumf %dot_general3A_18, %max3A_19 : vector<512x768xf32>
      %get3A_21 = arith.constant 0 : index
      %get3A_22 = arith.constant 0 : index
      %get3A_23 = vector.load %arg7[%get3A_21, %get3A_22] : memref<768x960xf32, #tpu.memory_space<vmem>>, vector<768x960xf32>
      %dot_general3A_24 = arith.constant dense<0.000000e+00> : vector<512x960xf32>
      %dot_general3A_25 = tpu.matmul %max3A_20, %get3A_23, %dot_general3A_24 {dimension_numbers = #tpu.dot_dimension_numbers<[1], [0], [0], [1], [0, 0, 1, 1], [], []>, transpose_lhs_hint = false} : vector<512x768xf32>, vector<768x960xf32>, vector<512x960xf32> -> vector<512x960xf32>
      %swap3A = arith.constant 0 : index
      %swap3A_26 = arith.constant 0 : index
      %swap3A_27 = vector.load %arg8[%swap3A, %swap3A_26] : memref<512x960xf32, #tpu.memory_space<vmem>>, vector<512x960xf32>
      tpu.vector_store %arg8[%swap3A, %swap3A_26], %dot_general3A_25 {strides = array<i32>} : memref<512x960xf32, #tpu.memory_space<vmem>>, vector<512x960xf32>,
    } else {
    }
    return
  }
  func.func @transform_0(%arg0: i32, %arg1: memref<16xi32, #tpu.memory_space<smem>>, %arg2: memref<16xi32, #tpu.memory_space<smem>>, %arg3: memref<16xi32, #tpu.memory_space<smem>>) -> (i32, i32) {
    %get3A = arith.index_cast %arg0 : i32 to index
    %get3A_0 = memref.load %arg2[%get3A] : memref<16xi32, #tpu.memory_space<smem>>
    %c0_i32 = arith.constant 0 : i32
    %c0_i32_1 = arith.constant 0 : i32
    return %get3A_0, %c0_i32 : i32, i32
  }
  func.func @transform_1(%arg0: i32, %arg1: memref<16xi32, #tpu.memory_space<smem>>, %arg2: memref<16xi32, #tpu.memory_space<smem>>, %arg3: memref<16xi32, #tpu.memory_space<smem>>) -> (i32, i32, i32) {
    %get3A = arith.index_cast %arg0 : i32 to index
    %get3A_0 = memref.load %arg1[%get3A] : memref<16xi32, #tpu.memory_space<smem>>
    %c0_i32 = arith.constant 0 : i32
    %c0_i32_1 = arith.constant 0 : i32
    %c0_i32_2 = arith.constant 0 : i32
    return %get3A_0, %c0_i32, %c0_i32_1 : i32, i32, i32
  }
  func.func @transform_2(%arg0: i32, %arg1: memref<16xi32, #tpu.memory_space<smem>>, %arg2: memref<16xi32, #tpu.memory_space<smem>>, %arg3: memref<16xi32, #tpu.memory_space<smem>>) -> (i32, i32, i32) {
    %get3A = arith.index_cast %arg0 : i32 to index
    %get3A_0 = memref.load %arg1[%get3A] : memref<16xi32, #tpu.memory_space<smem>>
    %c0_i32 = arith.constant 0 : i32
    %c0_i32_1 = arith.constant 0 : i32
    %c0_i32_2 = arith.constant 0 : i32
    return %get3A_0, %c0_i32, %c0_i32_1 : i32, i32, i32
  }
  func.func @transform_3(%arg0: i32, %arg1: memref<16xi32, #tpu.memory_space<smem>>, %arg2: memref<16xi32, #tpu.memory_space<smem>>, %arg3: memref<16xi32, #tpu.memory_space<smem>>) -> (i32, i32) {
    %get3A = arith.index_cast %arg0 : i32 to index
    %get3A_0 = memref.load %arg1[%get3A] : memref<16xi32, #tpu.memory_space<smem>>
    %c0_i32 = arith.constant 0 : i32
    %c0_i32_1 = arith.constant 0 : i32
    return %get3A_0, %c0_i32 : i32, i32
  }
  func.func @transform_4(%arg0: i32, %arg1: memref<16xi32, #tpu.memory_space<smem>>, %arg2: memref<16xi32, #tpu.memory_space<smem>>, %arg3: memref<16xi32, #tpu.memory_space<smem>>) -> (i32, i32) {
    %get3A = arith.index_cast %arg0 : i32 to index
    %get3A_0 = memref.load %arg2[%get3A] : memref<16xi32, #tpu.memory_space<smem>>
    %c0_i32 = arith.constant 0 : i32
    %c0_i32_1 = arith.constant 0 : i32
    return %get3A_0, %c0_i32 : i32, i32
  }
}

</mosaic_0001>

<sc_bundles>
// kernel: gather_offload_async_start.1
scs
__scs_entry_jumppad:
0x0: {  	(pc) =	sbr.rel $0x88, $3  }
0x1: {  	(tag) =	ssettag $0x0;
	lr =	simm.s32 $0x1  }
0x2: {  	[smem:$0x3F9A] =	sst lr;
	_ =	strace $0xD0000000  }
0x3: {  	_ = 	snop  }
0x4: {  	_ = 	snop  }
0x5: {  	_ = 	snop  }
0x6: {  	_ = 	snop  }
0x7: {  	_ = 	snop  }
__scs_overlays_trampoline_lowered:
0x8: {  	[smem:$0x3FA9] =	sst s0  }
0x9: {  	[smem:$0x3FAA] =	sst s1  }
0xa: {  	[smem:$0x3FAB] =	sst s2  }
0xb: {  	[smem:$0x3FAC] =	sst s3  }
0xc: {  	[smem:$0x3FAD] =	sst s4  }
0xd: {  	[smem:$0x3FAE] =	sst s5  }
0xe: {  	[smem:$0x3FAF] =	sst s6  }
0xf: {  	[smem:$0x3FB0] =	sst s7  }
0x10: {  	[smem:$0x3FB1] =	sst s8  }
0x11: {  	[smem:$0x3FB2] =	sst s9;
	s0 =	simm.s32 @!p0 $0x0  }
0x12: {  	s1 =	sld [smem:$0x3F98];
	s0 =	simm.s32 @p0 $0x1  }
0x13: {  	[smem:$0x3FB3] =	sst s0;
	s0 =	simm.s32 @!p1 $0x0  }
0x14: {  	s2 =	sld [smem:$0x3F97];
	s0 =	simm.s32 @p1 $0x1  }
0x15: {  	[smem:$0x3FB4] =	sst s0;
	s0 =	simm.s32 @!p2 $0x0  }
0x16: {  	s3 =	sld [smem:$0x3FDB];
	s0 =	simm.s32 @p2 $0x1  }
0x17: {  	s4 =	simm.s32 $0x1BF5;
	[smem:$0x3FB6] =	sst s0  }
0x18: {  	s0 =	sld [smem:$0x3F99];
	_ =	swait.ge [sflag:s4], $0x0  }
0x19: {  	s7 =	sld [smem:$0x3F9A]  }
0x1a: {  	s8 =	sadd.s32 $0xFFFFE003, lr  }
0x1b: {  	s9 =	sadd.s32 $0xFFFFFEF7, lr;
	s5 =	simm.s32 $0xFFFFFFFF;
	p2 =	slt.u32 s8, $0xFFFFF086  }
0x1c: {  	p1 =	slt.u32 s9, $0xF7A;
	s5 =	simm.s32 @!p2 $0x0  }
0x1d: {  	s5 =	simm.s32 @p1 $0x1;
	p0 =	seq.s32 s7, s2  }
0x1e: {  	s7 =	smul.u32 @!p0 $0xF7A, s2;
	p2 =	seq.s32 @!p0 s5, $0x0  }
0x1f: {  	s9 =	smul.u32 $0xF7A, s1;
	s8 =	simm.s32 @!p0 $0x1BF5;
	p2 =	por !p2, p0  }
0x20: {  	[sflag:s8] =	ssyncset.s32 @!p0 $0xFFFFF086;
	s6 =	sadd.s32 @!p0 s3, s7;
	s7 =	simm.s32 @!p0 $0x108  }
0x21: {  	s3 =	sadd.s32 s3, s9;
	s6 =	sadd.s32 @!p0 $0x88, s6;
	s7 =	simm.s32 @p2 $0x1082  }
0x22: {  	[simem:s7], [sflag:s8] =	dma.local @!p0 [hbm:s6], $0xF7A  }
0x23: {  	s9 =	sor.u32 $0xD0000000, s2;
	s6 =	simm.s32 $0x108;
	_ =	swait.ge @!p0 [sflag:s8], $0x0  }
0x24: {  	s3 =	sadd.s32 $0x88, s3;
	s6 =	simm.s32 @!p1 $0x1082;
	[sflag:s4] =	ssyncset.s32 $0xFFFFF086  }
0x25: {  	[simem:s6], [sflag:s4] =	dma.local [hbm:s3], $0xF7A  }
0x26: {  	[smem:$0x3F9A] =	sst s1;
	(tag) =	ssettag s2;
	_ =	strace s9  }
0x27: {  	s1 =	sld [smem:$0x3FAA]  }
0x28: {  	s2 =	sld [smem:$0x3FAB]  }
0x29: {  	s4 =	sld [smem:$0x3FAD]  }
0x2a: {  	p0 =	seq.s32 s5, $0x0;
	s5 =	sld [smem:$0x3FAE]  }
0x2b: {  	s6 =	sld [smem:$0x3FAF]  }
0x2c: {  	s7 =	sld [smem:$0x3FB0]  }
0x2d: {  	s3 =	simm.s32 $0x108;
	s8 =	sld [smem:$0x3FB1]  }
0x2e: {  	s3 =	simm.s32 @!p0 $0x1082;
	s9 =	sld [smem:$0x3FB2]  }
0x2f: {  	lr =	sadd.s32 s0, s3;
	s0 =	sld [smem:$0x3FA9]  }
0x30: {  	s3 =	sld [smem:$0x3FAC]  }
0x31: {  	[smem:$0x3FB5] =	sst s10  }
0x32: {  	s10 =	sld [smem:$0x3FB3];
	_ =	sdelay $0x3  }
0x33: {  	p0 =	seq.s32 s10, $0x1;
	s10 =	sld [smem:$0x3FB5];
	_ =	sdelay $0x3  }
0x34: {  	[smem:$0x3FB5] =	sst s10  }
0x35: {  	s10 =	sld [smem:$0x3FB4];
	_ =	sdelay $0x3  }
0x36: {  	p1 =	seq.s32 s10, $0x1;
	s10 =	sld [smem:$0x3FB5];
	_ =	sdelay $0x3  }
0x37: {  	[smem:$0x3FB5] =	sst s10  }
0x38: {  	s10 =	sld [smem:$0x3FB6]  }
0x39: {  	_ = 	snop;
	(pc) =	sbr.ind lr, $3  }
0x3a: {  	_ = 	snop  }
0x3b: {  	_ = 	snop  }
0x3c: {  	p2 =	seq.s32 s10, $0x1;
	s10 =	sld [smem:$0x3FB5]  }
0x3d: {  	_ =	shalt  }
0x3e: {  	_ =	shalt  }
0x3f: {  	_ =	shalt  }
0x40: {  	_ =	shalt  }
0x41: {  	_ =	shalt  }
0x42: {  	_ =	shalt  }
0x43: {  	_ =	shalt  }
0x44: {  	_ =	shalt  }
0x45: {  	_ =	shalt  }
0x46: {  	_ =	shalt  }
0x47: {  	_ =	shalt  }
0x48: {  	_ =	shalt  }
0x49: {  	_ =	shalt  }
0x4a: {  	_ =	shalt  }
0x4b: {  	_ =	shalt  }
0x4c: {  	_ =	shalt  }
0x4d: {  	_ =	shalt  }
0x4e: {  	_ =	shalt  }
0x4f: {  	_ =	shalt  }
0x50: {  	_ =	shalt  }
0x51: {  	_ =	shalt  }
0x52: {  	_ =	shalt  }
0x53: {  	_ =	shalt  }
0x54: {  	_ =	shalt  }
0x55: {  	_ =	shalt  }
0x56: {  	_ =	shalt  }
0x57: {  	_ =	shalt  }
0x58: {  	_ =	shalt  }
0x59: {  	_ =	shalt  }
0x5a: {  	_ =	shalt  }
0x5b: {  	_ =	shalt  }
0x5c: {  	_ =	shalt  }
0x5d: {  	_ =	shalt  }
0x5e: {  	_ =	shalt  }
0x5f: {  	_ =	shalt  }
0x60: {  	_ =	shalt  }
0x61: {  	_ =	shalt  }
0x62: {  	_ =	shalt  }
0x63: {  	_ =	shalt  }
0x64: {  	_ =	shalt  }
0x65: {  	_ =	shalt  }
0x66: {  	_ =	shalt  }
0x67: {  	_ =	shalt  }
0x68: {  	_ =	shalt  }
0x69: {  	_ =	shalt  }
0x6a: {  	_ =	shalt  }
0x6b: {  	_ =	shalt  }
0x6c: {  	_ =	shalt  }
0x6d: {  	_ =	shalt  }
0x6e: {  	_ =	shalt  }
0x6f: {  	_ =	shalt  }
0x70: {  	_ =	shalt  }
0x71: {  	_ =	shalt  }
0x72: {  	_ =	shalt  }
0x73: {  	_ =	shalt  }
0x74: {  	_ =	shalt  }
0x75: {  	_ =	shalt  }
0x76: {  	_ =	shalt  }
0x77: {  	_ =	shalt  }
0x78: {  	_ =	shalt  }
0x79: {  	_ =	shalt  }
0x7a: {  	_ =	shalt  }
0x7b: {  	_ =	shalt  }
0x7c: {  	_ =	shalt  }
0x7d: {  	_ =	shalt  }
0x7e: {  	_ =	shalt  }
0x7f: {  	_ =	shalt  }
0x80: {  	_ =	shalt  }
0x81: {  	_ =	shalt  }
0x82: {  	_ =	shalt  }
0x83: {  	_ =	shalt  }
0x84: {  	_ =	shalt  }
0x85: {  	_ =	shalt  }
0x86: {  	_ =	shalt  }
0x87: {  	_ =	shalt  }
.Lfunc_end0:
.L_simem_size_0:
called_computation.1_lowered:
.L_overlay_start_0:
0x88: {  	s2 =	sld [smem:$0x3FD9]  }
0x89: {  	s3 =	sld [smem:$0x3FFE];
	_ =	sdelay $0x1  }
0x8a: {  	s1 =	srdreg.scid  }
0x8b: {  	s0 =	sand.u32 $0x1, s1  }
0x8c: {  	s16 =	sshll.u32 s0, $0xA;
	s2 =	sadd.s32 s3, s2  }
0x8d: {  	s2 =	sadd.s32 s2, s16  }
0x8e: {  	[smem:$0x3FC1] =	sst s2  }
0x8f: {  	_ = 	snop  }
0x90: {  	(tm) =	ssettm $0x1  }
0x91: {  	s17 =	sld [smem:$0x3FFB];
	_ =	sdelay $0x3  }
0x92: {  	_ =	strace s17  }
0x93: {  	s2 =	sld [smem:$0x3FFC];
	_ =	sdelay $0x3  }
0x94: {  	_ =	strace s2  }
0x95: {  	s2 =	sld [smem:$0x3FFD];
	_ =	sdelay $0x3  }
0x96: {  	_ =	strace s2  }
0x97: {  	_ =	strace $0x8FFFFFFF  }
0x98: {  	s18 =	sld [smem:$0x3FDB];
	_ =	sdelay $0x1  }
0x99: {  	s19 =	simm.s32 $_scs_section_size  }
0x9a: {  	s4 =	simm.s32 $_size__tile_overlayer_lowered;
	s5 =	simm.s32 $_tile_overlayer_lowered  }
0x9b: {  	s22 =	simm.s32 $0x1BFF;
	s21 =	sshll.u32 s5, $0x1;
	s2 =	sadd.s32 s19, s18  }
0x9c: {  	s6 =	simm.s32 $0x0;
	s20 =	sshll.u32 s4, $0x1;
	s4 =	sadd.s32 s21, s2  }
0x9d: {  	[timem:s6], [sflag:s22] =	dma.local [hbm:s4], s20  }
0x9e: {  	_ =	swait.ge [sflag:s22], s20  }
0x9f: {  	s3 =	ssub.s32 $0x0, s20;
	[sflag:s22] =	ssyncset.done $0x0  }
0xa0: {  	[sflag:s22] =	ssyncadd.s32 s3;
	_ =	sdelay $0x1  }
0xa1: {  	s23 =	simm.s32 $0x1B8B  }
0xa2: {  	_ =	swait.ge [sflag:s23], $0x1  }
0xa3: {  	[sflag:s23] =	ssyncset.done $0x0  }
0xa4: {  	s25 =	simm.s32 $0x1B8E;
	s24 =	sld [smem:$0x3FFE];
	[sflag:s23] =	ssyncadd.s32 $0xFFFFFFFF  }
0xa5: {  	s26 =	simm.s32 $execute0_lowered;
	[smem:$0x3FD2] =	sst s25  }
0xa6: {  	s4 =	sshll.u32 s26, $0x1;
	_ =	strace $0x80000049;
	[dreg:$0x1] =	wrdreg $0xFFFFFFFF  }
0xa7: {  	s28 =	simm.s32 $_size_execute0_lowered;
	s2 =	sadd.s32 s2, s4;
	[dreg:$0x0] =	wrdreg $0x0  }
0xa8: {  	s4 =	sshll.u32 s28, $0x1;
	[dreg:$0x2] =	wrdreg s2  }
0xa9: {  	[dreg:$0x3] =	wrdreg s4  }
0xaa: {  	[dreg:$0x4] =	wrdreg $0xC0  }
0xab: {  	_ =	task [dreg:s6], $0x5FFFF  }
0xac: {  	[dreg:$0x1] =	wrdreg $0xFFFFFFFF  }
0xad: {  	[dreg:$0x0] =	wrdreg $0x60  }
0xae: {  	[dreg:$0x2] =	wrdreg s24  }
0xaf: {  	[dreg:$0x3] =	wrdreg $0xA  }
0xb0: {  	_ =	task.clear_ibuf [dreg:s6], $0x4FFFF;
	_ =	strace $0x90000049  }
0xb1: {  	s29 =	simm.s32 $0xA;
	_ =	strace $0x8000004B  }
0xb2: {  	_ =	swait.ge [sflag:s29], $0x1  }
0xb3: {  	[sflag:s29] =	ssyncadd.s32 $0xFFFFFFFF  }
0xb4: {  	_ =	strace $0x9000004B  }
0xb5: {  	_ =	sfence  }
0xb6: {  	s30 =	sld [smem:$0x0];
	_ =	sdelay $0x2  }
0xb7: {  	s31 =	sshll.u32 s1, $0xD;
	s1 =	sshrl.u32 s1, $0x2  }
0xb8: {  	s3 =	sand.u32 $0x4000, s31;
	s1 =	sadd.s32 s1, s30  }
0xb9: {  	s0 =	sor.u32 s3, s0;
	s1 =	sshll.u32 s1, $0x11  }
0xba: {  	s0 =	sor.u32 s1, s0  }
0xbb: {  	s0 =	sadd.s32 $0x8F2B, s0  }
0xbc: {  	[sflag:s0] =	ssyncadd.remote.s32 $0x1  }
0xbd: {  	_ =	sfence.sel $0xFFFF  }
0xbe: {  	[dreg:$0x0] =	wrdreg $0xFFFFFFFF;
	(pc) =	sbr.abs _section_cstart, $3  }
0xbf: {  	[dreg:$0x1] =	wrdreg $0xFFFFFFFF  }
0xc0: {  	_ =	task.clear_ibuf [dreg:s6], $0x2FFFF;
	_ =	strace $0x9FFFFFFF  }
0xc1: {  	(tm) =	ssettm $0x7FFFFFFF  }
tec
execute0_lowered:
.L_overlay_start_1:
0x0: {  	(tag) =	ssettag $0x1  }
0x1: {  	s2 =	rddreg [dreg:$0x0]  }
0x2: {  	s0 =	rddreg [dreg:$0x1]  }
0x3: {  	s1 =	srdreg.scid;
	_ =	strace $0x8000004A;
	s4 =	simm.s32 $0x1  }
0x4: {  	s9 =	simm.s32 $0x3;
	s11 =	simm.s32 $0x0;
	s5 =	sshll.u32 s1, $0x4  }
.Ltmp0:
0x5: {  	s1 =	stileid.u32;
	s5 =	sand.u32 $0x10, s5;
	(pc) =	sbr.rel .LBB2_1-.Ltmp0, $4  }
0x6: {  	p0 =	por $0x0, $0x0;
	s3 =	sadd.s32 $0x180600, s2;
	s6 =	sor.u32 s1, s5  }
0x7: {  	[sflag:s4] =	ssyncpa.u1 $0x0;
	s5 =	simm.s32 $0x2;
	s6 =	sshll.u32 s6, $0x6  }
0x8: {  	s7 =	sadd.s32 $0x180200, s2;
	[sflag:s5] =	ssyncpa.u1 $0x0;
	s8 =	sadd.s32 $0x40, s6  }
0x9: {  	vm0 =	vmmov $0xff;
	vm1 =	vcmask $0x3F20;
	[sflag:s9] =	ssyncpa.u1 $0x0;
	s10 =	smov.u32 s6;
	s9 =	simm.s32 $0x0  }
.LBB2_9:
0xa: {  	p1 =	slt.u32 s9, $0x2;
	s11 =	sadd.s32 $0x20, s10  }
0xb: {  	s13 =	smov.u32 s6;
	s9 =	sadd.s32 $0x1, s9;
	p2 =	slt.s32 s11, s8  }
0xc: {  	s13 =	smov.u32 @p2 s11;
	p2 =	sne.s32 s9, $0x4  }
.Ltmp1:
0xd: {  	_ = 	snop;
	(pc) =	sbr.rel @!p2 .LBB2_10-.Ltmp1, $4  }
0xe: {  	s12 =	simm.s32 @!p1 $0x3  }
0xf: {  	_ =	swait.ge @!p1 [sflag:s12], $0x8000  }
0x10: {  	p0 =	por !p0, !p0;
	[sflag:s12] =	ssyncset.done @!p1 $0x0  }
0x11: {  	s11 =	smov.u32 s10;
	s10 =	smov.u32 s13;
	[sflag:s12] =	ssyncadd.s32 @!p1 $0xFFFF8000  }
.LBB2_1:
0x12: {  	p1 =	sgt.u32 s9, $0x1  }
0x13: {  	s12 =	sshll.u32 @!p1 s9, $0x5;
	s13 =	sshrl.u32 @!p1 s10, $0x3  }
0x14: {  	s14 =	sand.u32 @!p1 $0x7, s10;
	s12 =	sxor.u32 @!p1 $0x20, s12;
	s13 =	sadd.s32 @!p1 s7, s13  }
0x15: {  	[tilespmem:s12], [sflag:$0x2] =	stream.linear.gather @!p1 [hbm4b:s13+s14], $0x20, $0x38;
	[tilespmem:$0x10040] =	vst v63  }
0x16: {  	p1 =	seq.s32 s9, $0x0  }
0x17: {  	p2 =	seq.s32 @!p1 s9, $0x3  }
0x18: {  	p1 =	por p1, p2  }
.Ltmp2:
0x19: {  	_ = 	snop;
	(pc) =	sbr.rel @p1 .LBB2_9-.Ltmp2, $1  }
0x1a: {  	_ =	sdelay $0x3  }
0x1b: {  	s12 =	simm.s32 $0x1  }
0x1c: {  	_ =	swait.ge [sflag:s5], $0x20;
	s13 =	sand.u32 $0x1, s9;
	s12 =	simm.s32 @!p0 $0x0  }
0x1d: {  	s15 =	simm.s32 $0x0;
	p2 =	por $0x1, $0x1;
	s12 =	sshll.u32 s12, $0x11  }
0x1e: {  	[sflag:s5] =	ssyncset.done $0x0;
	s13 =	sshll.u32 s13, $0x5;
	s14 =	sshrl.u32 s12, $0x2  }
0x1f: {  	[sflag:s5] =	ssyncadd.s32 $0xFFFFFFE0;
	s12 =	sor.u32 $0x40, s14;
	s14 =	sadd.s32 $0x40, s14  }
.LBB2_3:
0x20: {  	s16 =	sshll.u32 s15, $0x4  }
0x21: {  	s16 =	sand.u32 $0x3FFFFFF0, s16  }
0x22: {  	s16 =	sadd.s32 s16, s13  }
0x23: {  	v0 =	vld.msk [tilespmem:s16+$0x0 ss:$0x1], $0xffff;
	_ =	sdelay $0x4  }
0x24: {  	vm2 =	vgt.s32 v0, $0x0  }
0x25: {  	v0 =	vnsel vm2, $0x0, v0  }
0x26: {  	v0 =	vmin.u32 v0, $0x1FFF  }
0x27: {  	v1 =	vshll.u32 v0, $0x7;
	v0 =	vshll.u32 v0, $0x4  }
0x28: {  	v1 =	vand.u32 $0xFFC00, v1;
	v0 =	vand.u32 $0x70, v0  }
0x29: {  	v0 =	vor.u32 v0, v1  }
0x2a: {  	s31 =	sshll.u32 s15, $0x10  }
0x2b: {  	s15 =	sshra.s32 s31, $0x2  }
0x2c: {  	s15 =	sadd.s32 s15, s14  }
0x2d: {  	s17 =	sadd.s32 $0x0, s15  }
0x2e: {  	[tilespmem:s17], [sflag:$0x1] =	stream.indirect_vreg.gather [hbm:s3], $0x80, v0, vm0, $0x38;
	[tilespmem:$0x10040] =	vst v63  }
0x2f: {  	p1 =	por p2, p2;
	s16 =	simm.s32 $0x1000;
	v1 =	vadd.s32 $0x80, v0;
	s17 =	sadd.s32 $0x2000, s17  }
.LBB2_4:
0x30: {  	[tilespmem:s17], [sflag:$0x1] =	stream.indirect_vreg.gather [hbm:s3], $0x80, v0, vm1, $0x38;
	[tilespmem:$0x10040] =	vst v63  }
0x31: {  	v0 =	vmov v1;
	s17 =	smov.u32 s16;
	p2 =	sne.s32 s16, $0x7000  }
.Ltmp3:
0x32: {  	s16 =	sadd.s32 $0x1000, s16;
	(pc) =	sbr.rel @p2 .LBB2_4-.Ltmp3, $4  }
0x33: {  	s17 =	sshra.s32 s17, $0x2  }
0x34: {  	s17 =	sadd.s32 s17, s15  }
0x35: {  	[tilespmem:s17], [sflag:$0x1] =	stream.indirect_vreg.gather [hbm:s3], $0x80, v1, vm0, $0x38;
	[tilespmem:$0x10040] =	vst v63  }
0x36: {  	s17 =	sadd.s32 $0x2000, s17;
	v1 =	vadd.s32 $0x80, v1  }
0x37: {  	_ = 	snop  }
.Ltmp4:
0x38: {  	_ = 	snop;
	(pc) =	sbr.rel @p1 .LBB2_3-.Ltmp4, $3  }
0x39: {  	_ =	sdelay $0x1  }
0x3a: {  	[tilespmem:s17], [sflag:$0x1] =	stream.indirect_vreg.gather [hbm:s3], $0x80, v0, vm1, $0x38;
	[tilespmem:$0x10040] =	vst v63  }
0x3b: {  	s15 =	simm.s32 $0x1;
	p2 =	por $0x0, $0x0  }
0x3c: {  	s13 =	sshll.u32 s11, $0x7  }
0x3d: {  	s31 =	sshll.u32 s11, $0x4;
	s13 =	sand.u32 $0xFFFFFC00, s13  }
0x3e: {  	_ =	swait.ge [sflag:s4], $0x8000;
	s11 =	sand.u32 $0x70, s31;
	s13 =	sadd.s32 s13, s2  }
0x3f: {  	s14 =	sadd.s32 $0x2000, s12;
	[sflag:s4] =	ssyncset.done $0x0;
	s11 =	sadd.s32 s11, s13  }
0x40: {  	[sflag:s4] =	ssyncadd.s32 $0xFFFF8000;
	s13 =	simm.s32 $0x400;
	s15 =	sadd.s32 $0x0, s11  }
.LBB2_7:
0x41: {  	[hbm:s15] =	stream.linear.scatter [tilespmem:s12], [sflag:$0x3], $0x2000, $0x38;
	[tilespmem:$0x10040] =	vst v63  }
0x42: {  	s15 =	smov.u32 s13;
	s12 =	smov.u32 s14;
	p1 =	sne.s32 s13, $0xC00  }
.Ltmp5:
0x43: {  	s13 =	sadd.s32 $0x400, s13;
	(pc) =	sbr.rel @p1 .LBB2_7-.Ltmp5, $2  }
0x44: {  	_ =	sdelay $0x2  }
0x45: {  	s14 =	sadd.s32 $0x2000, s14;
	s15 =	sadd.s32 s15, s11  }
.Ltmp6:
0x46: {  	(pc) =	sbr.rel .LBB2_9-.Ltmp6, $2  }
0x47: {  	_ =	sdelay $0x2  }
0x48: {  	[hbm:s15] =	stream.linear.scatter [tilespmem:s12], [sflag:$0x3], $0x2000, $0x38;
	[tilespmem:$0x10040] =	vst v63  }
.LBB2_10:
0x49: {  	_ =	sfence.sel $0x180000  }
0x4a: {  	s2 =	simm.s32 $0x2;
	[bflag:$0x0] =	sbarrier.arrive $0xFFFF  }
0x4b: {  	s30 =	simm.s32 $0x3;
	[sflag:s2] =	ssyncpa.u1 $0x1  }
0x4c: {  	s31 =	simm.s32 $0x1;
	[sflag:s30] =	ssyncpa.u1 $0x1  }
0x4d: {  	[sflag:s31] =	ssyncpa.u1 $0x1  }
0x4e: {  	p0 =	sne.s32 s1, $0x0;
	_ =	strace $0x9000004A  }
0x4f: {  	s0 =	sadd.s32 @!p0 $0x100000, s0;
	[bflag:$0x2] =	sbarrier.arrive $0xFFFF  }
0x50: {  	[sflag:s0] =	ssyncadd.tile.s32 @!p0 $0x1;
	_ =	shalt  }
.Lfunc_end2:
_tile_overlayer_lowered:
.L_overlay_start_2:
0x51: {  	(tag) =	ssettag $0x2  }
0x52: {  	s0 =	rddreg [dreg:$0x0];
	s2 =	stileid.u32  }
0x53: {  	s1 =	rddreg [dreg:$0x1];
	p0 =	sne.s32 s2, $0x0  }
0x54: {  	s3 =	rddreg [dreg:$0x2];
	[bflag:$0x3] =	sbarrier.arrive $0xFFFF;
	s2 =	simm.s32 @!p0 $0x1C01  }
0x55: {  	[timem:s3], [sflag:s2] =	dma.local @!p0 [hbm:s0], s1  }
0x56: {  	s0 =	simm.s32 @!p0 $0x1  }
0x57: {  	_ =	swait.ge @!p0 [sflag:s0], s1  }
0x58: {  	s1 =	ssub.s32 @!p0 $0x0, s1;
	[sflag:s0] =	ssyncset.done @!p0 $0x0  }
0x59: {  	[sflag:s0] =	ssyncadd.s32 @!p0 s1  }
0x5a: {  	[bflag:$0x3] =	sbarrier.arrive $0xFFFF  }
0x5b: {  	_ =	shalt  }

// kernel: gather_offload_async_start
scs
__scs_entry_jumppad:
0x0: {  	(pc) =	sbr.rel $0x88, $3  }
0x1: {  	(tag) =	ssettag $0x0;
	lr =	simm.s32 $0x1  }
0x2: {  	[smem:$0x3F9A] =	sst lr;
	_ =	strace $0xD0000000  }
0x3: {  	_ = 	snop  }
0x4: {  	_ = 	snop  }
0x5: {  	_ = 	snop  }
0x6: {  	_ = 	snop  }
0x7: {  	_ = 	snop  }
__scs_overlays_trampoline_lowered:
0x8: {  	[smem:$0x3FA9] =	sst s0  }
0x9: {  	[smem:$0x3FAA] =	sst s1  }
0xa: {  	[smem:$0x3FAB] =	sst s2  }
0xb: {  	[smem:$0x3FAC] =	sst s3  }
0xc: {  	[smem:$0x3FAD] =	sst s4  }
0xd: {  	[smem:$0x3FAE] =	sst s5  }
0xe: {  	[smem:$0x3FAF] =	sst s6  }
0xf: {  	[smem:$0x3FB0] =	sst s7  }
0x10: {  	[smem:$0x3FB1] =	sst s8  }
0x11: {  	[smem:$0x3FB2] =	sst s9;
	s0 =	simm.s32 @!p0 $0x0  }
0x12: {  	s1 =	sld [smem:$0x3F98];
	s0 =	simm.s32 @p0 $0x1  }
0x13: {  	[smem:$0x3FB3] =	sst s0;
	s0 =	simm.s32 @!p1 $0x0  }
0x14: {  	s2 =	sld [smem:$0x3F97];
	s0 =	simm.s32 @p1 $0x1  }
0x15: {  	[smem:$0x3FB4] =	sst s0;
	s0 =	simm.s32 @!p2 $0x0  }
0x16: {  	s3 =	sld [smem:$0x3FDB];
	s0 =	simm.s32 @p2 $0x1  }
0x17: {  	s4 =	simm.s32 $0x1BF5;
	[smem:$0x3FB6] =	sst s0  }
0x18: {  	s0 =	sld [smem:$0x3F99];
	_ =	swait.ge [sflag:s4], $0x0  }
0x19: {  	s7 =	sld [smem:$0x3F9A]  }
0x1a: {  	s8 =	sadd.s32 $0xFFFFE003, lr  }
0x1b: {  	s9 =	sadd.s32 $0xFFFFFEF7, lr;
	s5 =	simm.s32 $0xFFFFFFFF;
	p2 =	slt.u32 s8, $0xFFFFF086  }
0x1c: {  	p1 =	slt.u32 s9, $0xF7A;
	s5 =	simm.s32 @!p2 $0x0  }
0x1d: {  	s5 =	simm.s32 @p1 $0x1;
	p0 =	seq.s32 s7, s2  }
0x1e: {  	s7 =	smul.u32 @!p0 $0xF7A, s2;
	p2 =	seq.s32 @!p0 s5, $0x0  }
0x1f: {  	s9 =	smul.u32 $0xF7A, s1;
	s8 =	simm.s32 @!p0 $0x1BF5;
	p2 =	por !p2, p0  }
0x20: {  	[sflag:s8] =	ssyncset.s32 @!p0 $0xFFFFF086;
	s6 =	sadd.s32 @!p0 s3, s7;
	s7 =	simm.s32 @!p0 $0x108  }
0x21: {  	s3 =	sadd.s32 s3, s9;
	s6 =	sadd.s32 @!p0 $0x88, s6;
	s7 =	simm.s32 @p2 $0x1082  }
0x22: {  	[simem:s7], [sflag:s8] =	dma.local @!p0 [hbm:s6], $0xF7A  }
0x23: {  	s9 =	sor.u32 $0xD0000000, s2;
	s6 =	simm.s32 $0x108;
	_ =	swait.ge @!p0 [sflag:s8], $0x0  }
0x24: {  	s3 =	sadd.s32 $0x88, s3;
	s6 =	simm.s32 @!p1 $0x1082;
	[sflag:s4] =	ssyncset.s32 $0xFFFFF086  }
0x25: {  	[simem:s6], [sflag:s4] =	dma.local [hbm:s3], $0xF7A  }
0x26: {  	[smem:$0x3F9A] =	sst s1;
	(tag) =	ssettag s2;
	_ =	strace s9  }
0x27: {  	s1 =	sld [smem:$0x3FAA]  }
0x28: {  	s2 =	sld [smem:$0x3FAB]  }
0x29: {  	s4 =	sld [smem:$0x3FAD]  }
0x2a: {  	p0 =	seq.s32 s5, $0x0;
	s5 =	sld [smem:$0x3FAE]  }
0x2b: {  	s6 =	sld [smem:$0x3FAF]  }
0x2c: {  	s7 =	sld [smem:$0x3FB0]  }
0x2d: {  	s3 =	simm.s32 $0x108;
	s8 =	sld [smem:$0x3FB1]  }
0x2e: {  	s3 =	simm.s32 @!p0 $0x1082;
	s9 =	sld [smem:$0x3FB2]  }
0x2f: {  	lr =	sadd.s32 s0, s3;
	s0 =	sld [smem:$0x3FA9]  }
0x30: {  	s3 =	sld [smem:$0x3FAC]  }
0x31: {  	[smem:$0x3FB5] =	sst s10  }
0x32: {  	s10 =	sld [smem:$0x3FB3];
	_ =	sdelay $0x3  }
0x33: {  	p0 =	seq.s32 s10, $0x1;
	s10 =	sld [smem:$0x3FB5];
	_ =	sdelay $0x3  }
0x34: {  	[smem:$0x3FB5] =	sst s10  }
0x35: {  	s10 =	sld [smem:$0x3FB4];
	_ =	sdelay $0x3  }
0x36: {  	p1 =	seq.s32 s10, $0x1;
	s10 =	sld [smem:$0x3FB5];
	_ =	sdelay $0x3  }
0x37: {  	[smem:$0x3FB5] =	sst s10  }
0x38: {  	s10 =	sld [smem:$0x3FB6]  }
0x39: {  	_ = 	snop;
	(pc) =	sbr.ind lr, $3  }
0x3a: {  	_ = 	snop  }
0x3b: {  	_ = 	snop  }
0x3c: {  	p2 =	seq.s32 s10, $0x1;
	s10 =	sld [smem:$0x3FB5]  }
0x3d: {  	_ =	shalt  }
0x3e: {  	_ =	shalt  }
0x3f: {  	_ =	shalt  }
0x40: {  	_ =	shalt  }
0x41: {  	_ =	shalt  }
0x42: {  	_ =	shalt  }
0x43: {  	_ =	shalt  }
0x44: {  	_ =	shalt  }
0x45: {  	_ =	shalt  }
0x46: {  	_ =	shalt  }
0x47: {  	_ =	shalt  }
0x48: {  	_ =	shalt  }
0x49: {  	_ =	shalt  }
0x4a: {  	_ =	shalt  }
0x4b: {  	_ =	shalt  }
0x4c: {  	_ =	shalt  }
0x4d: {  	_ =	shalt  }
0x4e: {  	_ =	shalt  }
0x4f: {  	_ =	shalt  }
0x50: {  	_ =	shalt  }
0x51: {  	_ =	shalt  }
0x52: {  	_ =	shalt  }
0x53: {  	_ =	shalt  }
0x54: {  	_ =	shalt  }
0x55: {  	_ =	shalt  }
0x56: {  	_ =	shalt  }
0x57: {  	_ =	shalt  }
0x58: {  	_ =	shalt  }
0x59: {  	_ =	shalt  }
0x5a: {  	_ =	shalt  }
0x5b: {  	_ =	shalt  }
0x5c: {  	_ =	shalt  }
0x5d: {  	_ =	shalt  }
0x5e: {  	_ =	shalt  }
0x5f: {  	_ =	shalt  }
0x60: {  	_ =	shalt  }
0x61: {  	_ =	shalt  }
0x62: {  	_ =	shalt  }
0x63: {  	_ =	shalt  }
0x64: {  	_ =	shalt  }
0x65: {  	_ =	shalt  }
0x66: {  	_ =	shalt  }
0x67: {  	_ =	shalt  }
0x68: {  	_ =	shalt  }
0x69: {  	_ =	shalt  }
0x6a: {  	_ =	shalt  }
0x6b: {  	_ =	shalt  }
0x6c: {  	_ =	shalt  }
0x6d: {  	_ =	shalt  }
0x6e: {  	_ =	shalt  }
0x6f: {  	_ =	shalt  }
0x70: {  	_ =	shalt  }
0x71: {  	_ =	shalt  }
0x72: {  	_ =	shalt  }
0x73: {  	_ =	shalt  }
0x74: {  	_ =	shalt  }
0x75: {  	_ =	shalt  }
0x76: {  	_ =	shalt  }
0x77: {  	_ =	shalt  }
0x78: {  	_ =	shalt  }
0x79: {  	_ =	shalt  }
0x7a: {  	_ =	shalt  }
0x7b: {  	_ =	shalt  }
0x7c: {  	_ =	shalt  }
0x7d: {  	_ =	shalt  }
0x7e: {  	_ =	shalt  }
0x7f: {  	_ =	shalt  }
0x80: {  	_ =	shalt  }
0x81: {  	_ =	shalt  }
0x82: {  	_ =	shalt  }
0x83: {  	_ =	shalt  }
0x84: {  	_ =	shalt  }
0x85: {  	_ =	shalt  }
0x86: {  	_ =	shalt  }
0x87: {  	_ =	shalt  }
.Lfunc_end0:
.L_simem_size_0:
called_computation_lowered:
.L_overlay_start_0:
0x88: {  	s2 =	sld [smem:$0x3FD9]  }
0x89: {  	s3 =	sld [smem:$0x3FFE];
	_ =	sdelay $0x1  }
0x8a: {  	s1 =	srdreg.scid  }
0x8b: {  	s0 =	sand.u32 $0x1, s1  }
0x8c: {  	s17 =	sshll.u32 s0, $0xA;
	s2 =	sadd.s32 s3, s2  }
0x8d: {  	s2 =	sadd.s32 s2, s17  }
0x8e: {  	[smem:$0x3FC1] =	sst s2  }
0x8f: {  	_ = 	snop  }
0x90: {  	(tm) =	ssettm $0x1  }
0x91: {  	s18 =	sld [smem:$0x3FFB];
	_ =	sdelay $0x3  }
0x92: {  	_ =	strace s18  }
0x93: {  	s2 =	sld [smem:$0x3FFC];
	_ =	sdelay $0x3  }
0x94: {  	_ =	strace s2  }
0x95: {  	s2 =	sld [smem:$0x3FFD];
	_ =	sdelay $0x3  }
0x96: {  	_ =	strace s2  }
0x97: {  	_ =	strace $0x8FFFFFFF  }
0x98: {  	s19 =	sld [smem:$0x3FDB];
	_ =	sdelay $0x1  }
0x99: {  	s20 =	simm.s32 $_scs_section_size  }
0x9a: {  	s4 =	simm.s32 $_size__tile_overlayer_lowered;
	s5 =	simm.s32 $_tile_overlayer_lowered  }
0x9b: {  	s6 =	simm.s32 $0x1BFF;
	s21 =	sshll.u32 s5, $0x1;
	s3 =	sadd.s32 s20, s19  }
0x9c: {  	s22 =	simm.s32 $0x0;
	s4 =	sshll.u32 s4, $0x1;
	s5 =	sadd.s32 s21, s3  }
0x9d: {  	[timem:s22], [sflag:s6] =	dma.local [hbm:s5], s4  }
0x9e: {  	_ =	swait.ge [sflag:s6], s4  }
0x9f: {  	s4 =	ssub.s32 $0x0, s4;
	[sflag:s6] =	ssyncset.done $0x0  }
0xa0: {  	[sflag:s6] =	ssyncadd.s32 s4;
	_ =	sdelay $0x1  }
0xa1: {  	s23 =	simm.s32 $0x1B8B  }
0xa2: {  	_ =	swait.ge [sflag:s23], $0x1  }
0xa3: {  	[sflag:s23] =	ssyncset.done $0x0  }
0xa4: {  	[sflag:s23] =	ssyncadd.s32 $0xFFFFFFFF  }
0xa5: {  	s4 =	sld [smem:$0x0]  }
0xa6: {  	s5 =	sand.u32 $0xFFFFFFFE, s1  }
0xa7: {  	p0 =	sne.s32 s1, s5  }
0xa8: {  	s5 =	sshll.u32 @p0 s5, $0xE  }
0xa9: {  	s5 =	sadd.s32 @p0 $0x11B8D, s5;
	s6 =	sshll.u32 @p0 s4, $0x11  }
0xaa: {  	s5 =	sor.u32 @p0 s6, s5  }
0xab: {  	[sflag:s5] =	ssyncadd.remote.s32 @p0 $0x1;
	_ =	sdelay $0x1  }
0xac: {  	s5 =	simm.s32 @p0 $0x1B8D  }
0xad: {  	_ =	swait.eq @p0 [sflag:s5], $0x1  }
0xae: {  	[sflag:s5] =	ssyncadd.s32 @p0 $0xFFFFFFFF  }
0xaf: {  	s6 =	sshll.u32 @!p0 s1, $0xE  }
0xb0: {  	s6 =	sor.u32 @!p0 $0x4000, s6;
	s5 =	simm.s32 @!p0 $0x1B8D  }
0xb1: {  	s4 =	sshll.u32 @!p0 s4, $0x11;
	s6 =	sadd.s32 @!p0 $0x11B8D, s6;
	_ =	swait.eq @!p0 [sflag:s5], $0x1  }
0xb2: {  	s4 =	sor.u32 @!p0 s4, s6;
	[sflag:s5] =	ssyncadd.s32 @!p0 $0xFFFFFFFF  }
0xb3: {  	s25 =	simm.s32 $0x1B8E;
	s24 =	sld [smem:$0x3FFE];
	[sflag:s4] =	ssyncadd.remote.s32 @!p0 $0x1  }
0xb4: {  	s26 =	simm.s32 $execute0_lowered;
	[smem:$0x3FD2] =	sst s25  }
0xb5: {  	s5 =	sshll.u32 s26, $0x1;
	_ =	strace $0x8000004C;
	[dreg:$0x1] =	wrdreg $0xFFFFFFFF  }
0xb6: {  	s28 =	simm.s32 $_size_execute0_lowered;
	s3 =	sadd.s32 s3, s5;
	[dreg:$0x0] =	wrdreg $0x0  }
0xb7: {  	s5 =	sshll.u32 s28, $0x1;
	[dreg:$0x2] =	wrdreg s3  }
0xb8: {  	[dreg:$0x3] =	wrdreg s5  }
0xb9: {  	[dreg:$0x4] =	wrdreg $0xC0  }
0xba: {  	_ =	task [dreg:s22], $0x5FFFF  }
0xbb: {  	[dreg:$0x1] =	wrdreg $0xFFFFFFFF  }
0xbc: {  	[dreg:$0x0] =	wrdreg $0x60  }
0xbd: {  	[dreg:$0x2] =	wrdreg s24  }
0xbe: {  	[dreg:$0x3] =	wrdreg $0x9  }
0xbf: {  	_ =	task.clear_ibuf [dreg:s22], $0x4FFFF;
	_ =	strace $0x9000004C  }
0xc0: {  	s29 =	simm.s32 $0x9;
	_ =	strace $0x8000004E  }
0xc1: {  	_ =	swait.ge [sflag:s29], $0x1  }
0xc2: {  	[sflag:s29] =	ssyncadd.s32 $0xFFFFFFFF  }
0xc3: {  	_ =	strace $0x9000004E  }
0xc4: {  	_ =	sfence  }
0xc5: {  	s30 =	sld [smem:$0x0];
	_ =	sdelay $0x2  }
0xc6: {  	s31 =	sshll.u32 s1, $0xD;
	s1 =	sshrl.u32 s1, $0x2  }
0xc7: {  	s4 =	sand.u32 $0x4000, s31;
	s1 =	sadd.s32 s1, s30  }
0xc8: {  	s0 =	sor.u32 s4, s0;
	s1 =	sshll.u32 s1, $0x11  }
0xc9: {  	s0 =	sor.u32 s1, s0  }
0xca: {  	s0 =	sadd.s32 $0x8F2B, s0  }
0xcb: {  	[sflag:s0] =	ssyncadd.remote.s32 $0x1  }
0xcc: {  	_ =	sfence.sel $0xFFFF  }
0xcd: {  	[dreg:$0x0] =	wrdreg $0xFFFFFFFF;
	(pc) =	sbr.abs _section_cstart, $3  }
0xce: {  	[dreg:$0x1] =	wrdreg $0xFFFFFFFF  }
0xcf: {  	_ =	task.clear_ibuf [dreg:s22], $0x2FFFF;
	_ =	strace $0x9FFFFFFF  }
0xd0: {  	(tm) =	ssettm $0x7FFFFFFF  }
0xd1: {  	_ =	shalt  }
tec
execute0_lowered:
.L_overlay_start_1:
0x0: {  	(tag) =	ssettag $0x1  }
0x1: {  	s7 =	rddreg [dreg:$0x0]  }
0x2: {  	s0 =	rddreg [dreg:$0x1];
	_ =	strace $0x8000004D  }
0x3: {  	s1 =	srdreg.scid;
	s4 =	simm.s32 $0x1;
	s9 =	simm.s32 $0x3  }
0x4: {  	s11 =	simm.s32 $0x0;
	p0 =	por $0x0, $0x0;
	s5 =	sshll.u32 s1, $0x4  }
.Ltmp0:
0x5: {  	s1 =	stileid.u32;
	s5 =	sand.u32 $0x10, s5;
	(pc) =	sbr.rel .LBB2_1-.Ltmp0, $4  }
0x6: {  	s2 =	sadd.s32 $0x180600, s7;
	s3 =	sadd.s32 $0x180400, s7;
	s6 =	sor.u32 s1, s5  }
0x7: {  	[sflag:s4] =	ssyncpa.u1 $0x0;
	s5 =	simm.s32 $0x2;
	s6 =	sshll.u32 s6, $0x6  }
0x8: {  	s7 =	sadd.s32 $0x40000, s7;
	[sflag:s5] =	ssyncpa.u1 $0x0;
	s8 =	sadd.s32 $0x40, s6  }
0x9: {  	vm0 =	vmmov $0xff;
	vm1 =	vcmask $0x3F20;
	[sflag:s9] =	ssyncpa.u1 $0x0;
	s10 =	smov.u32 s6;
	s9 =	simm.s32 $0x0  }
.LBB2_9:
0xa: {  	p1 =	slt.u32 s9, $0x2;
	s11 =	sadd.s32 $0x20, s10  }
0xb: {  	s13 =	smov.u32 s6;
	s9 =	sadd.s32 $0x1, s9;
	p2 =	slt.s32 s11, s8  }
0xc: {  	s13 =	smov.u32 @p2 s11;
	p2 =	sne.s32 s9, $0x4  }
.Ltmp1:
0xd: {  	_ = 	snop;
	(pc) =	sbr.rel @!p2 .LBB2_10-.Ltmp1, $4  }
0xe: {  	s12 =	simm.s32 @!p1 $0x3  }
0xf: {  	_ =	swait.ge @!p1 [sflag:s12], $0x8000  }
0x10: {  	p0 =	por !p0, !p0;
	[sflag:s12] =	ssyncset.done @!p1 $0x0  }
0x11: {  	s11 =	smov.u32 s10;
	s10 =	smov.u32 s13;
	[sflag:s12] =	ssyncadd.s32 @!p1 $0xFFFF8000  }
.LBB2_1:
0x12: {  	p1 =	sgt.u32 s9, $0x1  }
0x13: {  	s12 =	sshll.u32 @!p1 s9, $0x5;
	s13 =	sshrl.u32 @!p1 s10, $0x3  }
0x14: {  	s14 =	sand.u32 @!p1 $0x7, s10;
	s12 =	sxor.u32 @!p1 $0x20, s12;
	s13 =	sadd.s32 @!p1 s3, s13  }
0x15: {  	[tilespmem:s12], [sflag:$0x2] =	stream.linear.gather @!p1 [hbm4b:s13+s14], $0x20, $0x38;
	[tilespmem:$0x10040] =	vst v63  }
0x16: {  	p1 =	seq.s32 s9, $0x0  }
0x17: {  	p2 =	seq.s32 @!p1 s9, $0x3  }
0x18: {  	p1 =	por p1, p2  }
.Ltmp2:
0x19: {  	_ = 	snop;
	(pc) =	sbr.rel @p1 .LBB2_9-.Ltmp2, $1  }
0x1a: {  	_ =	sdelay $0x3  }
0x1b: {  	s12 =	simm.s32 $0x1  }
0x1c: {  	_ =	swait.ge [sflag:s5], $0x20;
	s13 =	sand.u32 $0x1, s9;
	s12 =	simm.s32 @!p0 $0x0  }
0x1d: {  	s15 =	simm.s32 $0x0;
	p2 =	por $0x1, $0x1;
	s12 =	sshll.u32 s12, $0x11  }
0x1e: {  	[sflag:s5] =	ssyncset.done $0x0;
	s13 =	sshll.u32 s13, $0x5;
	s14 =	sshrl.u32 s12, $0x2  }
0x1f: {  	[sflag:s5] =	ssyncadd.s32 $0xFFFFFFE0;
	s12 =	sor.u32 $0x40, s14;
	s14 =	sadd.s32 $0x40, s14  }
.LBB2_3:
0x20: {  	s16 =	sshll.u32 s15, $0x4  }
0x21: {  	s16 =	sand.u32 $0x3FFFFFF0, s16  }
0x22: {  	s16 =	sadd.s32 s16, s13  }
0x23: {  	v0 =	vld.msk [tilespmem:s16+$0x0 ss:$0x1], $0xffff;
	_ =	sdelay $0x4  }
0x24: {  	vm2 =	vgt.s32 v0, $0x0  }
0x25: {  	v0 =	vnsel vm2, $0x0, v0  }
0x26: {  	v0 =	vmin.u32 v0, $0x1FFF  }
0x27: {  	v1 =	vshll.u32 v0, $0x7;
	v0 =	vshll.u32 v0, $0x4  }
0x28: {  	v1 =	vand.u32 $0xFFC00, v1;
	v0 =	vand.u32 $0x70, v0  }
0x29: {  	v0 =	vor.u32 v0, v1  }
0x2a: {  	s31 =	sshll.u32 s15, $0x10  }
0x2b: {  	s15 =	sshra.s32 s31, $0x2  }
0x2c: {  	s15 =	sadd.s32 s15, s14  }
0x2d: {  	s17 =	sadd.s32 $0x0, s15  }
0x2e: {  	[tilespmem:s17], [sflag:$0x1] =	stream.indirect_vreg.gather [hbm:s2], $0x80, v0, vm0, $0x38;
	[tilespmem:$0x10040] =	vst v63  }
0x2f: {  	p1 =	por p2, p2;
	s16 =	simm.s32 $0x1000;
	v1 =	vadd.s32 $0x80, v0;
	s17 =	sadd.s32 $0x2000, s17  }
.LBB2_4:
0x30: {  	[tilespmem:s17], [sflag:$0x1] =	stream.indirect_vreg.gather [hbm:s2], $0x80, v0, vm1, $0x38;
	[tilespmem:$0x10040] =	vst v63  }
0x31: {  	v0 =	vmov v1;
	s17 =	smov.u32 s16;
	p2 =	sne.s32 s16, $0x7000  }
.Ltmp3:
0x32: {  	s16 =	sadd.s32 $0x1000, s16;
	(pc) =	sbr.rel @p2 .LBB2_4-.Ltmp3, $4  }
0x33: {  	s17 =	sshra.s32 s17, $0x2  }
0x34: {  	s17 =	sadd.s32 s17, s15  }
0x35: {  	[tilespmem:s17], [sflag:$0x1] =	stream.indirect_vreg.gather [hbm:s2], $0x80, v1, vm0, $0x38;
	[tilespmem:$0x10040] =	vst v63  }
0x36: {  	s17 =	sadd.s32 $0x2000, s17;
	v1 =	vadd.s32 $0x80, v1  }
0x37: {  	_ = 	snop  }
.Ltmp4:
0x38: {  	_ = 	snop;
	(pc) =	sbr.rel @p1 .LBB2_3-.Ltmp4, $3  }
0x39: {  	_ =	sdelay $0x1  }
0x3a: {  	[tilespmem:s17], [sflag:$0x1] =	stream.indirect_vreg.gather [hbm:s2], $0x80, v0, vm1, $0x38;
	[tilespmem:$0x10040] =	vst v63  }
0x3b: {  	s15 =	simm.s32 $0x1;
	p2 =	por $0x0, $0x0  }
0x3c: {  	s13 =	sshll.u32 s11, $0x7  }
0x3d: {  	s31 =	sshll.u32 s11, $0x4;
	s13 =	sand.u32 $0xFFFFFC00, s13  }
0x3e: {  	_ =	swait.ge [sflag:s4], $0x8000;
	s11 =	sand.u32 $0x70, s31;
	s13 =	sadd.s32 s13, s7  }
0x3f: {  	s14 =	sadd.s32 $0x2000, s12;
	[sflag:s4] =	ssyncset.done $0x0;
	s11 =	sadd.s32 s11, s13  }
0x40: {  	[sflag:s4] =	ssyncadd.s32 $0xFFFF8000;
	s13 =	simm.s32 $0x400;
	s15 =	sadd.s32 $0x0, s11  }
.LBB2_7:
0x41: {  	[hbm:s15] =	stream.linear.scatter [tilespmem:s12], [sflag:$0x3], $0x2000, $0x38;
	[tilespmem:$0x10040] =	vst v63  }
0x42: {  	s15 =	smov.u32 s13;
	s12 =	smov.u32 s14;
	p1 =	sne.s32 s13, $0xC00  }
.Ltmp5:
0x43: {  	s13 =	sadd.s32 $0x400, s13;
	(pc) =	sbr.rel @p1 .LBB2_7-.Ltmp5, $2  }
0x44: {  	_ =	sdelay $0x2  }
0x45: {  	s14 =	sadd.s32 $0x2000, s14;
	s15 =	sadd.s32 s15, s11  }
.Ltmp6:
0x46: {  	(pc) =	sbr.rel .LBB2_9-.Ltmp6, $2  }
0x47: {  	_ =	sdelay $0x2  }
0x48: {  	[hbm:s15] =	stream.linear.scatter [tilespmem:s12], [sflag:$0x3], $0x2000, $0x38;
	[tilespmem:$0x10040] =	vst v63  }
.LBB2_10:
0x49: {  	_ =	sfence.sel $0x180000  }
0x4a: {  	s2 =	simm.s32 $0x2;
	[bflag:$0x0] =	sbarrier.arrive $0xFFFF  }
0x4b: {  	s30 =	simm.s32 $0x3;
	[sflag:s2] =	ssyncpa.u1 $0x1  }
0x4c: {  	s31 =	simm.s32 $0x1;
	[sflag:s30] =	ssyncpa.u1 $0x1  }
0x4d: {  	[sflag:s31] =	ssyncpa.u1 $0x1  }
0x4e: {  	p0 =	sne.s32 s1, $0x0;
	_ =	strace $0x9000004D  }
0x4f: {  	s0 =	sadd.s32 @!p0 $0x100000, s0;
	[bflag:$0x2] =	sbarrier.arrive $0xFFFF  }
0x50: {  	[sflag:s0] =	ssyncadd.tile.s32 @!p0 $0x1;
	_ =	shalt  }
.Lfunc_end2:
_tile_overlayer_lowered:
.L_overlay_start_2:
0x51: {  	(tag) =	ssettag $0x2  }
0x52: {  	s0 =	rddreg [dreg:$0x0];
	s2 =	stileid.u32  }
0x53: {  	s1 =	rddreg [dreg:$0x1];
	p0 =	sne.s32 s2, $0x0  }
0x54: {  	s3 =	rddreg [dreg:$0x2];
	[bflag:$0x3] =	sbarrier.arrive $0xFFFF;
	s2 =	simm.s32 @!p0 $0x1C01  }
0x55: {  	[timem:s3], [sflag:s2] =	dma.local @!p0 [hbm:s0], s1  }
0x56: {  	s0 =	simm.s32 @!p0 $0x1  }
0x57: {  	_ =	swait.ge @!p0 [sflag:s0], s1  }
0x58: {  	s1 =	ssub.s32 @!p0 $0x0, s1;
	[sflag:s0] =	ssyncset.done @!p0 $0x0  }
0x59: {  	[sflag:s0] =	ssyncadd.s32 @!p0 s1  }
0x5a: {  	[bflag:$0x3] =	sbarrier.arrive $0xFFFF  }
0x5b: {  	_ =	shalt  }

// kernel: kernel.5.cloned.1.call-start
scs
__scs_entry_jumppad:
0x0: {  	(pc) =	sbr.rel $0x88, $3  }
0x1: {  	(tag) =	ssettag $0x0;
	lr =	simm.s32 $0x1  }
0x2: {  	[smem:$0x3F9A] =	sst lr;
	_ =	strace $0xD0000000  }
0x3: {  	_ = 	snop  }
0x4: {  	_ = 	snop  }
0x5: {  	_ = 	snop  }
0x6: {  	_ = 	snop  }
0x7: {  	_ = 	snop  }
__scs_overlays_trampoline_lowered:
0x8: {  	[smem:$0x3FA9] =	sst s0  }
0x9: {  	[smem:$0x3FAA] =	sst s1  }
0xa: {  	[smem:$0x3FAB] =	sst s2  }
0xb: {  	[smem:$0x3FAC] =	sst s3  }
0xc: {  	[smem:$0x3FAD] =	sst s4  }
0xd: {  	[smem:$0x3FAE] =	sst s5  }
0xe: {  	[smem:$0x3FAF] =	sst s6  }
0xf: {  	[smem:$0x3FB0] =	sst s7  }
0x10: {  	[smem:$0x3FB1] =	sst s8  }
0x11: {  	[smem:$0x3FB2] =	sst s9;
	s0 =	simm.s32 @!p0 $0x0  }
0x12: {  	s1 =	sld [smem:$0x3F98];
	s0 =	simm.s32 @p0 $0x1  }
0x13: {  	[smem:$0x3FB3] =	sst s0;
	s0 =	simm.s32 @!p1 $0x0  }
0x14: {  	s2 =	sld [smem:$0x3F97];
	s0 =	simm.s32 @p1 $0x1  }
0x15: {  	[smem:$0x3FB4] =	sst s0;
	s0 =	simm.s32 @!p2 $0x0  }
0x16: {  	s3 =	sld [smem:$0x3FDB];
	s0 =	simm.s32 @p2 $0x1  }
0x17: {  	s4 =	simm.s32 $0x1BF5;
	[smem:$0x3FB6] =	sst s0  }
0x18: {  	s0 =	sld [smem:$0x3F99];
	_ =	swait.ge [sflag:s4], $0x0  }
0x19: {  	s7 =	sld [smem:$0x3F9A]  }
0x1a: {  	s8 =	sadd.s32 $0xFFFFE003, lr  }
0x1b: {  	s9 =	sadd.s32 $0xFFFFFEF7, lr;
	s5 =	simm.s32 $0xFFFFFFFF;
	p2 =	slt.u32 s8, $0xFFFFF086  }
0x1c: {  	p1 =	slt.u32 s9, $0xF7A;
	s5 =	simm.s32 @!p2 $0x0  }
0x1d: {  	s5 =	simm.s32 @p1 $0x1;
	p0 =	seq.s32 s7, s2  }
0x1e: {  	s7 =	smul.u32 @!p0 $0xF7A, s2;
	p2 =	seq.s32 @!p0 s5, $0x0  }
0x1f: {  	s9 =	smul.u32 $0xF7A, s1;
	s8 =	simm.s32 @!p0 $0x1BF5;
	p2 =	por !p2, p0  }
0x20: {  	[sflag:s8] =	ssyncset.s32 @!p0 $0xFFFFF086;
	s6 =	sadd.s32 @!p0 s3, s7;
	s7 =	simm.s32 @!p0 $0x108  }
0x21: {  	s3 =	sadd.s32 s3, s9;
	s6 =	sadd.s32 @!p0 $0x88, s6;
	s7 =	simm.s32 @p2 $0x1082  }
0x22: {  	[simem:s7], [sflag:s8] =	dma.local @!p0 [hbm:s6], $0xF7A  }
0x23: {  	s9 =	sor.u32 $0xD0000000, s2;
	s6 =	simm.s32 $0x108;
	_ =	swait.ge @!p0 [sflag:s8], $0x0  }
0x24: {  	s3 =	sadd.s32 $0x88, s3;
	s6 =	simm.s32 @!p1 $0x1082;
	[sflag:s4] =	ssyncset.s32 $0xFFFFF086  }
0x25: {  	[simem:s6], [sflag:s4] =	dma.local [hbm:s3], $0xF7A  }
0x26: {  	[smem:$0x3F9A] =	sst s1;
	(tag) =	ssettag s2;
	_ =	strace s9  }
0x27: {  	s1 =	sld [smem:$0x3FAA]  }
0x28: {  	s2 =	sld [smem:$0x3FAB]  }
0x29: {  	s4 =	sld [smem:$0x3FAD]  }
0x2a: {  	p0 =	seq.s32 s5, $0x0;
	s5 =	sld [smem:$0x3FAE]  }
0x2b: {  	s6 =	sld [smem:$0x3FAF]  }
0x2c: {  	s7 =	sld [smem:$0x3FB0]  }
0x2d: {  	s3 =	simm.s32 $0x108;
	s8 =	sld [smem:$0x3FB1]  }
0x2e: {  	s3 =	simm.s32 @!p0 $0x1082;
	s9 =	sld [smem:$0x3FB2]  }
0x2f: {  	lr =	sadd.s32 s0, s3;
	s0 =	sld [smem:$0x3FA9]  }
0x30: {  	s3 =	sld [smem:$0x3FAC]  }
0x31: {  	[smem:$0x3FB5] =	sst s10  }
0x32: {  	s10 =	sld [smem:$0x3FB3];
	_ =	sdelay $0x3  }
0x33: {  	p0 =	seq.s32 s10, $0x1;
	s10 =	sld [smem:$0x3FB5];
	_ =	sdelay $0x3  }
0x34: {  	[smem:$0x3FB5] =	sst s10  }
0x35: {  	s10 =	sld [smem:$0x3FB4];
	_ =	sdelay $0x3  }
0x36: {  	p1 =	seq.s32 s10, $0x1;
	s10 =	sld [smem:$0x3FB5];
	_ =	sdelay $0x3  }
0x37: {  	[smem:$0x3FB5] =	sst s10  }
0x38: {  	s10 =	sld [smem:$0x3FB6]  }
0x39: {  	_ = 	snop;
	(pc) =	sbr.ind lr, $3  }
0x3a: {  	_ = 	snop  }
0x3b: {  	_ = 	snop  }
0x3c: {  	p2 =	seq.s32 s10, $0x1;
	s10 =	sld [smem:$0x3FB5]  }
0x3d: {  	_ =	shalt  }
0x3e: {  	_ =	shalt  }
0x3f: {  	_ =	shalt  }
0x40: {  	_ =	shalt  }
0x41: {  	_ =	shalt  }
0x42: {  	_ =	shalt  }
0x43: {  	_ =	shalt  }
0x44: {  	_ =	shalt  }
0x45: {  	_ =	shalt  }
0x46: {  	_ =	shalt  }
0x47: {  	_ =	shalt  }
0x48: {  	_ =	shalt  }
0x49: {  	_ =	shalt  }
0x4a: {  	_ =	shalt  }
0x4b: {  	_ =	shalt  }
0x4c: {  	_ =	shalt  }
0x4d: {  	_ =	shalt  }
0x4e: {  	_ =	shalt  }
0x4f: {  	_ =	shalt  }
0x50: {  	_ =	shalt  }
0x51: {  	_ =	shalt  }
0x52: {  	_ =	shalt  }
0x53: {  	_ =	shalt  }
0x54: {  	_ =	shalt  }
0x55: {  	_ =	shalt  }
0x56: {  	_ =	shalt  }
0x57: {  	_ =	shalt  }
0x58: {  	_ =	shalt  }
0x59: {  	_ =	shalt  }
0x5a: {  	_ =	shalt  }
0x5b: {  	_ =	shalt  }
0x5c: {  	_ =	shalt  }
0x5d: {  	_ =	shalt  }
0x5e: {  	_ =	shalt  }
0x5f: {  	_ =	shalt  }
0x60: {  	_ =	shalt  }
0x61: {  	_ =	shalt  }
0x62: {  	_ =	shalt  }
0x63: {  	_ =	shalt  }
0x64: {  	_ =	shalt  }
0x65: {  	_ =	shalt  }
0x66: {  	_ =	shalt  }
0x67: {  	_ =	shalt  }
0x68: {  	_ =	shalt  }
0x69: {  	_ =	shalt  }
0x6a: {  	_ =	shalt  }
0x6b: {  	_ =	shalt  }
0x6c: {  	_ =	shalt  }
0x6d: {  	_ =	shalt  }
0x6e: {  	_ =	shalt  }
0x6f: {  	_ =	shalt  }
0x70: {  	_ =	shalt  }
0x71: {  	_ =	shalt  }
0x72: {  	_ =	shalt  }
0x73: {  	_ =	shalt  }
0x74: {  	_ =	shalt  }
0x75: {  	_ =	shalt  }
0x76: {  	_ =	shalt  }
0x77: {  	_ =	shalt  }
0x78: {  	_ =	shalt  }
0x79: {  	_ =	shalt  }
0x7a: {  	_ =	shalt  }
0x7b: {  	_ =	shalt  }
0x7c: {  	_ =	shalt  }
0x7d: {  	_ =	shalt  }
0x7e: {  	_ =	shalt  }
0x7f: {  	_ =	shalt  }
0x80: {  	_ =	shalt  }
0x81: {  	_ =	shalt  }
0x82: {  	_ =	shalt  }
0x83: {  	_ =	shalt  }
0x84: {  	_ =	shalt  }
0x85: {  	_ =	shalt  }
0x86: {  	_ =	shalt  }
0x87: {  	_ =	shalt  }
.Lfunc_end0:
.L_simem_size_0:
called_computation.2_lowered:
.L_overlay_start_0:
0x88: {  	s2 =	sld [smem:$0x3FD9]  }
0x89: {  	s3 =	sld [smem:$0x3FFE];
	_ =	sdelay $0x1  }
0x8a: {  	s1 =	srdreg.scid  }
0x8b: {  	s0 =	sand.u32 $0x1, s1  }
0x8c: {  	s14 =	sshll.u32 s0, $0xA;
	s2 =	sadd.s32 s3, s2  }
0x8d: {  	s2 =	sadd.s32 s2, s14  }
0x8e: {  	[smem:$0x3FC1] =	sst s2  }
0x8f: {  	_ = 	snop  }
0x90: {  	s2 =	sld [smem:$0x3FD0];
	_ =	sdelay $0x2  }
0x91: {  	s4 =	simm.s32 $0xB;
	s5 =	simm.s32 $0x10;
	s15 =	sld [smem:$0x3FC9]  }
0x92: {  	[smem:s5], [sflag:s4] =	dma.local [hbm:s2], $0x1  }
0x93: {  	_ =	swait.eq [sflag:s4], $0x1  }
0x94: {  	[sflag:s4] =	ssyncset.done $0x0  }
0x95: {  	[sflag:s4] =	ssyncadd.s32 $0xFFFFFFFF  }
0x96: {  	s16 =	sld [smem:$0x10];
	(tm) =	ssettm $0x1  }
0x97: {  	s17 =	sld [smem:$0x3FFB];
	_ =	sdelay $0x3  }
0x98: {  	_ =	strace s17  }
0x99: {  	s4 =	sld [smem:$0x3FFC];
	_ =	sdelay $0x3  }
0x9a: {  	_ =	strace s4  }
0x9b: {  	s4 =	sld [smem:$0x3FFD];
	_ =	sdelay $0x3  }
0x9c: {  	_ =	strace s4  }
0x9d: {  	_ =	strace $0x8FFFFFFF  }
0x9e: {  	s18 =	sld [smem:$0x3FDB];
	_ =	sdelay $0x1  }
0x9f: {  	s19 =	simm.s32 $_scs_section_size  }
0xa0: {  	s6 =	simm.s32 $_size__tile_overlayer_lowered;
	s7 =	simm.s32 $_tile_overlayer_lowered  }
0xa1: {  	s22 =	simm.s32 $0x1BFF;
	s21 =	sshll.u32 s7, $0x1;
	s4 =	sadd.s32 s19, s18  }
0xa2: {  	s8 =	simm.s32 $0x0;
	s20 =	sshll.u32 s6, $0x1;
	s6 =	sadd.s32 s21, s4  }
0xa3: {  	[timem:s8], [sflag:s22] =	dma.local [hbm:s6], s20  }
0xa4: {  	_ =	swait.ge [sflag:s22], s20  }
0xa5: {  	s5 =	ssub.s32 $0x0, s20;
	[sflag:s22] =	ssyncset.done $0x0  }
0xa6: {  	[sflag:s22] =	ssyncadd.s32 s5;
	_ =	sdelay $0x1  }
0xa7: {  	s23 =	simm.s32 $0x1B8B  }
0xa8: {  	_ =	swait.ge [sflag:s23], $0x1  }
0xa9: {  	[sflag:s23] =	ssyncset.done $0x0  }
0xaa: {  	s25 =	simm.s32 $0x1B8E;
	s24 =	sld [smem:$0x3FFE];
	[sflag:s23] =	ssyncadd.s32 $0xFFFFFFFF  }
0xab: {  	s26 =	simm.s32 $execute0_lowered;
	[smem:$0x3FD2] =	sst s25  }
0xac: {  	s6 =	sshll.u32 s26, $0x1;
	_ =	strace $0x80000046;
	[dreg:$0x1] =	wrdreg $0xFFFFFFFF  }
0xad: {  	s28 =	simm.s32 $_size_execute0_lowered;
	s4 =	sadd.s32 s4, s6;
	[dreg:$0x0] =	wrdreg $0x0  }
0xae: {  	s6 =	sshll.u32 s28, $0x1;
	[dreg:$0x2] =	wrdreg s4  }
0xaf: {  	[dreg:$0x3] =	wrdreg s6  }
0xb0: {  	[dreg:$0x4] =	wrdreg $0xC0  }
0xb1: {  	_ =	task [dreg:s8], $0x5FFFF  }
0xb2: {  	[dreg:$0x1] =	wrdreg $0xFFFFFFFF  }
0xb3: {  	[dreg:$0x0] =	wrdreg $0x60  }
0xb4: {  	[dreg:$0x2] =	wrdreg s15  }
0xb5: {  	[dreg:$0x3] =	wrdreg s24  }
0xb6: {  	[dreg:$0x4] =	wrdreg s16  }
0xb7: {  	[dreg:$0x5] =	wrdreg $0x9  }
0xb8: {  	_ =	task.clear_ibuf [dreg:s8], $0x6FFFF;
	_ =	strace $0x90000046  }
0xb9: {  	s29 =	simm.s32 $0x9;
	_ =	strace $0x80000048  }
0xba: {  	_ =	swait.ge [sflag:s29], $0x1  }
0xbb: {  	[sflag:s29] =	ssyncadd.s32 $0xFFFFFFFF  }
0xbc: {  	_ =	strace $0x90000048  }
0xbd: {  	_ =	sfence  }
0xbe: {  	s30 =	sld [smem:$0x0];
	_ =	sdelay $0x2  }
0xbf: {  	s31 =	sshll.u32 s1, $0xD;
	s1 =	sshrl.u32 s1, $0x2  }
0xc0: {  	s3 =	sand.u32 $0x4000, s31;
	s1 =	sadd.s32 s1, s30  }
0xc1: {  	s0 =	sor.u32 s3, s0;
	s1 =	sshll.u32 s1, $0x11  }
0xc2: {  	s0 =	sor.u32 s1, s0  }
0xc3: {  	s0 =	sadd.s32 $0x8F2B, s0  }
0xc4: {  	[sflag:s0] =	ssyncadd.remote.s32 $0x1  }
0xc5: {  	_ =	sfence.sel $0xFFFF  }
0xc6: {  	[dreg:$0x0] =	wrdreg $0xFFFFFFFF;
	(pc) =	sbr.abs _section_cstart, $3  }
0xc7: {  	[dreg:$0x1] =	wrdreg $0xFFFFFFFF  }
0xc8: {  	_ =	task.clear_ibuf [dreg:s8], $0x2FFFF;
	_ =	strace $0x9FFFFFFF  }
0xc9: {  	(tm) =	ssettm $0x7FFFFFFF  }
tec
execute0_lowered:
.L_overlay_start_1:
0x0: {  	(tag) =	ssettag $0x1  }
0x1: {  	s1 =	rddreg [dreg:$0x0]  }
0x2: {  	s2 =	srdreg.scid;
	s5 =	rddreg [dreg:$0x1]  }
0x3: {  	s0 =	stileid.u32;
	s6 =	rddreg [dreg:$0x2];
	s25 =	simm.s32 $0xC000  }
0x4: {  	s26 =	simm.s32 $0xC080;
	s9 =	simm.s32 $0x1000;
	s10 =	simm.s32 $0x1800  }
0x5: {  	s11 =	simm.s32 $0x2000;
	s12 =	simm.s32 $0x2800;
	s13 =	simm.s32 $0x3000  }
0x6: {  	s14 =	simm.s32 $0x3800;
	s15 =	simm.s32 $0x4000;
	s16 =	simm.s32 $0x4800  }
0x7: {  	s17 =	simm.s32 $0x5000;
	s18 =	simm.s32 $0x5800;
	s19 =	simm.s32 $0x6000  }
0x8: {  	s20 =	simm.s32 $0x6800;
	s21 =	simm.s32 $0x7000;
	s28 =	simm.s32 $0xA000  }
0x9: {  	s29 =	simm.s32 $0xA800;
	s30 =	simm.s32 $0xB000;
	s31 =	simm.s32 $0xB800  }
0xa: {  	s4 =	sand.u32 $0x1, s2;
	s3 =	sshll.u32 s0, $0x4;
	s2 =	simm.s32 $0x0  }
0xb: {  	s7 =	sshll.u32 s4, $0x3;
	[smem:$0x7FF] =	sst s2;
	s4 =	ssub.s32 $0x2, s4  }
0xc: {  	s7 =	sor.u32 s7, s3;
	_ =	strace $0x80000047;
	[dreg:$0x7] =	wrdreg s25  }
0xd: {  	s3 =	sadd.s32 $0x200, s5;
	s22 =	sshrl.u32 s4, $0x1;
	[dreg:$0x8] =	wrdreg s26  }
0xe: {  	s25 =	simm.s32 $0x9000;
	s26 =	simm.s32 $0x9800;
	s23 =	sadd.s32 s5, s7  }
0xf: {  	s8 =	smul.u32 $0x300, s7;
	s24 =	sadd.s32 s6, s7;
	[dreg:$0x5] =	wrdreg s23  }
0x10: {  	s7 =	simm.s32 $0x2;
	[dreg:$0x6] =	wrdreg s24;
	s23 =	simm.s32 $0x8000  }
0x11: {  	v2 =	vlaneseq.u32;
	s24 =	simm.s32 $0x8800;
	s1 =	sadd.s32 s1, s8;
	s8 =	ssub.s32 s4, s22  }
0x12: {  	vm0 =	vmmov $0xffff;
	v1 =	vshrl.u32 v2, $0x3;
	s4 =	sadd.s32 $0x300, s5;
	s5 =	sadd.s32 $0x400, s5;
	s22 =	simm.s32 $0x7800  }
0x13: {  	v0 =	vand.u32 $0x7, v2;
	v2 =	vor.u32 $0x8, v2;
	v1 =	vmul.u32 $0x8, v1;
	[dreg:$0x4] =	wrdreg s1;
	s6 =	smax.u32 s8, $0x1;
	s1 =	simm.s32 $0x1  }
.LBB2_1:
0x14: {  	s0 =	rddreg [dreg:$0x4]  }
0x15: {  	[tilespmem:s2], [sflag:$0x2] =	stream.linear.gather [hbm4b:s0+s2], $0xC000, $0x38;
	[tilespmem:$0xC100] =	vst v63  }
0x16: {  	_ =	swait.ge [sflag:s7], $0xC000  }
0x17: {  	s0 =	rddreg [dreg:$0x5];
	[sflag:s7] =	ssyncset.done $0x0  }
0x18: {  	s8 =	rddreg [dreg:$0x7];
	[sflag:s7] =	ssyncadd.s32 $0xFFFF4000  }
0x19: {  	[tilespmem:s8], [sflag:$0x2] =	stream.linear.gather [hbm4b:s0+s2], $0x40, $0x38;
	[tilespmem:$0xC100] =	vst v63  }
0x1a: {  	_ =	swait.ge [sflag:s7], $0x40  }
0x1b: {  	s0 =	rddreg [dreg:$0x6];
	[sflag:s7] =	ssyncset.done $0x0  }
0x1c: {  	s8 =	rddreg [dreg:$0x8];
	[sflag:s7] =	ssyncadd.s32 $0xFFFFFFC0  }
0x1d: {  	[tilespmem:s8], [sflag:$0x2] =	stream.linear.gather [hbm4b:s0+s2], $0x40, $0x38;
	[tilespmem:$0xC100] =	vst v63  }
0x1e: {  	_ =	swait.ge [sflag:s7], $0x40  }
0x1f: {  	[sflag:s7] =	ssyncset.done $0x0  }
0x20: {  	[sflag:s7] =	ssyncadd.s32 $0xFFFFFFC0  }
0x21: {  	v3 =	vld [tilespmem:$0xC000];
	_ =	sdelay $0x4  }
0x22: {  	v4 =	vshrl.u32 v3, $0x3  }
0x23: {  	v4 =	vmul.u32 $0x30, v4  }
0x24: {  	v3 =	vand.u32 $0x7, v3  }
0x25: {  	v3 =	vor.u32 v3, v4  }
0x26: {  	v4 =	vperm.xlane v3, v0;
	_ =	sdelay $0x1  }
0x27: {  	v4 =	vadd.s32 v1, v4;
	_ =	sdelay $0x3  }
0x28: {  	v3 =	vperm.xlane v3, v2  }
0x29: {  	[hbm4b:s3+s2] =	stream.indirect_vreg.scatter [tilespmem:s2], [sflag:$0x1], $0x80, v4, vm0, $0xb8;
	[tilespmem:$0xC100] =	vst v63  }
0x2a: {  	s8 =	simm.s32 $0x800;
	v3 =	vadd.s32 v1, v3  }
0x2b: {  	[hbm4b:s4+s2] =	stream.indirect_vreg.scatter [tilespmem:s8], [sflag:$0x1], $0x80, v4, vm0, $0xb8;
	[tilespmem:$0xC100] =	vst v63  }
0x2c: {  	_ = 	snop  }
0x2d: {  	[hbm4b:s5+s2] =	stream.indirect_vreg.scatter [tilespmem:s9], [sflag:$0x1], $0x80, v4, vm0, $0xb8;
	[tilespmem:$0xC100] =	vst v63  }
0x2e: {  	_ = 	snop  }
0x2f: {  	[hbm4b:s3+s2] =	stream.indirect_vreg.scatter [tilespmem:s10], [sflag:$0x1], $0x80, v3, vm0, $0xb8;
	[tilespmem:$0xC100] =	vst v63  }
0x30: {  	_ = 	snop  }
0x31: {  	[hbm4b:s4+s2] =	stream.indirect_vreg.scatter [tilespmem:s11], [sflag:$0x1], $0x80, v3, vm0, $0xb8;
	[tilespmem:$0xC100] =	vst v63  }
0x32: {  	_ = 	snop  }
0x33: {  	[hbm4b:s5+s2] =	stream.indirect_vreg.scatter [tilespmem:s12], [sflag:$0x1], $0x80, v3, vm0, $0xb8;
	[tilespmem:$0xC100] =	vst v63  }
0x34: {  	v3 =	vld [tilespmem:$0xC010];
	_ =	sdelay $0x4  }
0x35: {  	v57 =	vshrl.u32 v3, $0x3  }
0x36: {  	v4 =	vmul.u32 $0x30, v57  }
0x37: {  	v3 =	vand.u32 $0x7, v3  }
0x38: {  	v3 =	vor.u32 v3, v4  }
0x39: {  	v4 =	vperm.xlane v3, v0;
	_ =	sdelay $0x1  }
0x3a: {  	v4 =	vadd.s32 v1, v4;
	_ =	sdelay $0x3  }
0x3b: {  	v3 =	vperm.xlane v3, v2  }
0x3c: {  	[hbm4b:s3+s2] =	stream.indirect_vreg.scatter [tilespmem:s13], [sflag:$0x1], $0x80, v4, vm0, $0xb8;
	[tilespmem:$0xC100] =	vst v63  }
0x3d: {  	v3 =	vadd.s32 v1, v3  }
0x3e: {  	[hbm4b:s4+s2] =	stream.indirect_vreg.scatter [tilespmem:s14], [sflag:$0x1], $0x80, v4, vm0, $0xb8;
	[tilespmem:$0xC100] =	vst v63  }
0x3f: {  	_ = 	snop  }
0x40: {  	[hbm4b:s5+s2] =	stream.indirect_vreg.scatter [tilespmem:s15], [sflag:$0x1], $0x80, v4, vm0, $0xb8;
	[tilespmem:$0xC100] =	vst v63  }
0x41: {  	_ = 	snop  }
0x42: {  	[hbm4b:s3+s2] =	stream.indirect_vreg.scatter [tilespmem:s16], [sflag:$0x1], $0x80, v3, vm0, $0xb8;
	[tilespmem:$0xC100] =	vst v63  }
0x43: {  	_ = 	snop  }
0x44: {  	[hbm4b:s4+s2] =	stream.indirect_vreg.scatter [tilespmem:s17], [sflag:$0x1], $0x80, v3, vm0, $0xb8;
	[tilespmem:$0xC100] =	vst v63  }
0x45: {  	_ = 	snop  }
0x46: {  	[hbm4b:s5+s2] =	stream.indirect_vreg.scatter [tilespmem:s18], [sflag:$0x1], $0x80, v3, vm0, $0xb8;
	[tilespmem:$0xC100] =	vst v63  }
0x47: {  	v3 =	vld [tilespmem:$0xC020];
	_ =	sdelay $0x4  }
0x48: {  	v58 =	vshrl.u32 v3, $0x3  }
0x49: {  	v4 =	vmul.u32 $0x30, v58  }
0x4a: {  	v3 =	vand.u32 $0x7, v3  }
0x4b: {  	v3 =	vor.u32 v3, v4  }
0x4c: {  	v4 =	vperm.xlane v3, v0;
	_ =	sdelay $0x1  }
0x4d: {  	v4 =	vadd.s32 v1, v4;
	_ =	sdelay $0x3  }
0x4e: {  	v3 =	vperm.xlane v3, v2  }
0x4f: {  	[hbm4b:s3+s2] =	stream.indirect_vreg.scatter [tilespmem:s19], [sflag:$0x1], $0x80, v4, vm0, $0xb8;
	[tilespmem:$0xC100] =	vst v63  }
0x50: {  	v3 =	vadd.s32 v1, v3  }
0x51: {  	[hbm4b:s4+s2] =	stream.indirect_vreg.scatter [tilespmem:s20], [sflag:$0x1], $0x80, v4, vm0, $0xb8;
	[tilespmem:$0xC100] =	vst v63  }
0x52: {  	_ = 	snop  }
0x53: {  	[hbm4b:s5+s2] =	stream.indirect_vreg.scatter [tilespmem:s21], [sflag:$0x1], $0x80, v4, vm0, $0xb8;
	[tilespmem:$0xC100] =	vst v63  }
0x54: {  	_ = 	snop  }
0x55: {  	[hbm4b:s3+s2] =	stream.indirect_vreg.scatter [tilespmem:s22], [sflag:$0x1], $0x80, v3, vm0, $0xb8;
	[tilespmem:$0xC100] =	vst v63  }
0x56: {  	_ = 	snop  }
0x57: {  	[hbm4b:s4+s2] =	stream.indirect_vreg.scatter [tilespmem:s23], [sflag:$0x1], $0x80, v3, vm0, $0xb8;
	[tilespmem:$0xC100] =	vst v63  }
0x58: {  	_ = 	snop  }
0x59: {  	[hbm4b:s5+s2] =	stream.indirect_vreg.scatter [tilespmem:s24], [sflag:$0x1], $0x80, v3, vm0, $0xb8;
	[tilespmem:$0xC100] =	vst v63  }
0x5a: {  	v3 =	vld [tilespmem:$0xC030];
	_ =	sdelay $0x4  }
0x5b: {  	v59 =	vshrl.u32 v3, $0x3  }
0x5c: {  	v4 =	vmul.u32 $0x30, v59  }
0x5d: {  	v3 =	vand.u32 $0x7, v3  }
0x5e: {  	v3 =	vor.u32 v3, v4  }
0x5f: {  	v4 =	vperm.xlane v3, v0;
	_ =	sdelay $0x1  }
0x60: {  	v4 =	vadd.s32 v1, v4;
	_ =	sdelay $0x3  }
0x61: {  	v3 =	vperm.xlane v3, v2  }
0x62: {  	[hbm4b:s3+s2] =	stream.indirect_vreg.scatter [tilespmem:s25], [sflag:$0x1], $0x80, v4, vm0, $0xb8;
	[tilespmem:$0xC100] =	vst v63  }
0x63: {  	v3 =	vadd.s32 v1, v3  }
0x64: {  	[hbm4b:s4+s2] =	stream.indirect_vreg.scatter [tilespmem:s26], [sflag:$0x1], $0x80, v4, vm0, $0xb8;
	[tilespmem:$0xC100] =	vst v63  }
0x65: {  	_ = 	snop  }
0x66: {  	[hbm4b:s5+s2] =	stream.indirect_vreg.scatter [tilespmem:s28], [sflag:$0x1], $0x80, v4, vm0, $0xb8;
	[tilespmem:$0xC100] =	vst v63  }
0x67: {  	_ = 	snop  }
0x68: {  	[hbm4b:s3+s2] =	stream.indirect_vreg.scatter [tilespmem:s29], [sflag:$0x1], $0x80, v3, vm0, $0xb8;
	[tilespmem:$0xC100] =	vst v63  }
0x69: {  	_ = 	snop  }
0x6a: {  	[hbm4b:s4+s2] =	stream.indirect_vreg.scatter [tilespmem:s30], [sflag:$0x1], $0x80, v3, vm0, $0xb8;
	[tilespmem:$0xC100] =	vst v63  }
0x6b: {  	_ = 	snop  }
0x6c: {  	[hbm4b:s5+s2] =	stream.indirect_vreg.scatter [tilespmem:s31], [sflag:$0x1], $0x80, v3, vm0, $0xb8;
	[tilespmem:$0xC100] =	vst v63  }
0x6d: {  	v3 =	vld [tilespmem:$0xC080];
	_ =	sdelay $0x4  }
0x6e: {  	v60 =	vshrl.u32 v3, $0x3  }
0x6f: {  	v4 =	vmul.u32 $0x30, v60  }
0x70: {  	v3 =	vand.u32 $0x7, v3  }
0x71: {  	v3 =	vor.u32 v3, v4  }
0x72: {  	v4 =	vperm.xlane v3, v0;
	_ =	sdelay $0x1  }
0x73: {  	v4 =	vadd.s32 v1, v4;
	_ =	sdelay $0x3  }
0x74: {  	v3 =	vperm.xlane v3, v2  }
0x75: {  	[hbm4b:s3+s2] =	stream.indirect_vreg.scatter [tilespmem:s2], [sflag:$0x1], $0x80, v4, vm0, $0xb8;
	[tilespmem:$0xC100] =	vst v63  }
0x76: {  	v3 =	vadd.s32 v1, v3  }
0x77: {  	[hbm4b:s4+s2] =	stream.indirect_vreg.scatter [tilespmem:s8], [sflag:$0x1], $0x80, v4, vm0, $0xb8;
	[tilespmem:$0xC100] =	vst v63  }
0x78: {  	_ = 	snop  }
0x79: {  	[hbm4b:s5+s2] =	stream.indirect_vreg.scatter [tilespmem:s9], [sflag:$0x1], $0x80, v4, vm0, $0xb8;
	[tilespmem:$0xC100] =	vst v63  }
0x7a: {  	_ = 	snop  }
0x7b: {  	[hbm4b:s3+s2] =	stream.indirect_vreg.scatter [tilespmem:s10], [sflag:$0x1], $0x80, v3, vm0, $0xb8;
	[tilespmem:$0xC100] =	vst v63  }
0x7c: {  	_ = 	snop  }
0x7d: {  	[hbm4b:s4+s2] =	stream.indirect_vreg.scatter [tilespmem:s11], [sflag:$0x1], $0x80, v3, vm0, $0xb8;
	[tilespmem:$0xC100] =	vst v63  }
0x7e: {  	_ = 	snop  }
0x7f: {  	[hbm4b:s5+s2] =	stream.indirect_vreg.scatter [tilespmem:s12], [sflag:$0x1], $0x80, v3, vm0, $0xb8;
	[tilespmem:$0xC100] =	vst v63  }
0x80: {  	v3 =	vld [tilespmem:$0xC090];
	_ =	sdelay $0x4  }
0x81: {  	v61 =	vshrl.u32 v3, $0x3  }
0x82: {  	v4 =	vmul.u32 $0x30, v61  }
0x83: {  	v3 =	vand.u32 $0x7, v3  }
0x84: {  	v3 =	vor.u32 v3, v4  }
0x85: {  	v4 =	vperm.xlane v3, v0;
	_ =	sdelay $0x1  }
0x86: {  	v4 =	vadd.s32 v1, v4;
	_ =	sdelay $0x3  }
0x87: {  	v3 =	vperm.xlane v3, v2  }
0x88: {  	[hbm4b:s3+s2] =	stream.indirect_vreg.scatter [tilespmem:s13], [sflag:$0x1], $0x80, v4, vm0, $0xb8;
	[tilespmem:$0xC100] =	vst v63  }
0x89: {  	v3 =	vadd.s32 v1, v3  }
0x8a: {  	[hbm4b:s4+s2] =	stream.indirect_vreg.scatter [tilespmem:s14], [sflag:$0x1], $0x80, v4, vm0, $0xb8;
	[tilespmem:$0xC100] =	vst v63  }
0x8b: {  	_ = 	snop  }
0x8c: {  	[hbm4b:s5+s2] =	stream.indirect_vreg.scatter [tilespmem:s15], [sflag:$0x1], $0x80, v4, vm0, $0xb8;
	[tilespmem:$0xC100] =	vst v63  }
0x8d: {  	_ = 	snop  }
0x8e: {  	[hbm4b:s3+s2] =	stream.indirect_vreg.scatter [tilespmem:s16], [sflag:$0x1], $0x80, v3, vm0, $0xb8;
	[tilespmem:$0xC100] =	vst v63  }
0x8f: {  	_ = 	snop  }
0x90: {  	[hbm4b:s4+s2] =	stream.indirect_vreg.scatter [tilespmem:s17], [sflag:$0x1], $0x80, v3, vm0, $0xb8;
	[tilespmem:$0xC100] =	vst v63  }
0x91: {  	_ = 	snop  }
0x92: {  	[hbm4b:s5+s2] =	stream.indirect_vreg.scatter [tilespmem:s18], [sflag:$0x1], $0x80, v3, vm0, $0xb8;
	[tilespmem:$0xC100] =	vst v63  }
0x93: {  	v3 =	vld [tilespmem:$0xC0A0];
	_ =	sdelay $0x4  }
0x94: {  	v62 =	vshrl.u32 v3, $0x3  }
0x95: {  	v4 =	vmul.u32 $0x30, v62  }
0x96: {  	v3 =	vand.u32 $0x7, v3  }
0x97: {  	v3 =	vor.u32 v3, v4  }
0x98: {  	v4 =	vperm.xlane v3, v0;
	_ =	sdelay $0x1  }
0x99: {  	v4 =	vadd.s32 v1, v4;
	_ =	sdelay $0x3  }
0x9a: {  	v3 =	vperm.xlane v3, v2  }
0x9b: {  	[hbm4b:s3+s2] =	stream.indirect_vreg.scatter [tilespmem:s19], [sflag:$0x1], $0x80, v4, vm0, $0xb8;
	[tilespmem:$0xC100] =	vst v63  }
0x9c: {  	v3 =	vadd.s32 v1, v3  }
0x9d: {  	[hbm4b:s4+s2] =	stream.indirect_vreg.scatter [tilespmem:s20], [sflag:$0x1], $0x80, v4, vm0, $0xb8;
	[tilespmem:$0xC100] =	vst v63  }
0x9e: {  	_ = 	snop  }
0x9f: {  	[hbm4b:s5+s2] =	stream.indirect_vreg.scatter [tilespmem:s21], [sflag:$0x1], $0x80, v4, vm0, $0xb8;
	[tilespmem:$0xC100] =	vst v63  }
0xa0: {  	_ = 	snop  }
0xa1: {  	[hbm4b:s3+s2] =	stream.indirect_vreg.scatter [tilespmem:s22], [sflag:$0x1], $0x80, v3, vm0, $0xb8;
	[tilespmem:$0xC100] =	vst v63  }
0xa2: {  	_ = 	snop  }
0xa3: {  	[hbm4b:s4+s2] =	stream.indirect_vreg.scatter [tilespmem:s23], [sflag:$0x1], $0x80, v3, vm0, $0xb8;
	[tilespmem:$0xC100] =	vst v63  }
0xa4: {  	_ = 	snop  }
0xa5: {  	[hbm4b:s5+s2] =	stream.indirect_vreg.scatter [tilespmem:s24], [sflag:$0x1], $0x80, v3, vm0, $0xb8;
	[tilespmem:$0xC100] =	vst v63  }
0xa6: {  	v3 =	vld [tilespmem:$0xC0B0];
	_ =	sdelay $0x4  }
0xa7: {  	v63 =	vshrl.u32 v3, $0x3  }
0xa8: {  	v4 =	vmul.u32 $0x30, v63  }
0xa9: {  	v3 =	vand.u32 $0x7, v3  }
0xaa: {  	v3 =	vor.u32 v3, v4  }
0xab: {  	v4 =	vperm.xlane v3, v0;
	_ =	sdelay $0x1  }
0xac: {  	v4 =	vadd.s32 v1, v4;
	_ =	sdelay $0x3  }
0xad: {  	v3 =	vperm.xlane v3, v2  }
0xae: {  	[hbm4b:s3+s2] =	stream.indirect_vreg.scatter [tilespmem:s25], [sflag:$0x1], $0x80, v4, vm0, $0xb8;
	[tilespmem:$0xC100] =	vst v63  }
0xaf: {  	v3 =	vadd.s32 v1, v3  }
0xb0: {  	[hbm4b:s4+s2] =	stream.indirect_vreg.scatter [tilespmem:s26], [sflag:$0x1], $0x80, v4, vm0, $0xb8;
	[tilespmem:$0xC100] =	vst v63  }
0xb1: {  	_ = 	snop  }
0xb2: {  	[hbm4b:s5+s2] =	stream.indirect_vreg.scatter [tilespmem:s28], [sflag:$0x1], $0x80, v4, vm0, $0xb8;
	[tilespmem:$0xC100] =	vst v63  }
0xb3: {  	_ = 	snop  }
0xb4: {  	[hbm4b:s3+s2] =	stream.indirect_vreg.scatter [tilespmem:s29], [sflag:$0x1], $0x80, v3, vm0, $0xb8;
	[tilespmem:$0xC100] =	vst v63  }
0xb5: {  	_ = 	snop  }
0xb6: {  	[hbm4b:s4+s2] =	stream.indirect_vreg.scatter [tilespmem:s30], [sflag:$0x1], $0x80, v3, vm0, $0xb8;
	[tilespmem:$0xC100] =	vst v63  }
0xb7: {  	_ = 	snop  }
0xb8: {  	[hbm4b:s5+s2] =	stream.indirect_vreg.scatter [tilespmem:s31], [sflag:$0x1], $0x80, v3, vm0, $0xb8;
	[tilespmem:$0xC100] =	vst v63  }
0xb9: {  	p0 =	sne.s32 s6, $0x1;
	_ =	swait.ge [sflag:s1], $0xC000  }
.Ltmp0:
0xba: {  	[sflag:s1] =	ssyncset.done $0x0;
	(pc) =	sbr.rel @p0 .LBB2_1-.Ltmp0, $4  }
0xbb: {  	[sflag:s1] =	ssyncadd.s32 $0xFFFF4000  }
0xbc: {  	_ =	swait.ge [sflag:s1], $0xC000  }
0xbd: {  	[sflag:s1] =	ssyncset.done $0x0  }
0xbe: {  	s6 =	sadd.s32 $0xFFFFFFFF, s6;
	[sflag:s1] =	ssyncadd.s32 $0xFFFF4000  }
0xbf: {  	_ =	sfence.sel $0x180000  }
0xc0: {  	[bflag:$0x0] =	sbarrier.arrive $0xFFFF  }
0xc1: {  	_ =	strace $0x90000047  }
0xc2: {  	s0 =	stileid.u32;
	[bflag:$0x2] =	sbarrier.arrive $0xFFFF  }
0xc3: {  	p0 =	sne.s32 s0, $0x0;
	s0 =	rddreg [dreg:$0x3]  }
0xc4: {  	s0 =	sadd.s32 @!p0 $0x100000, s0  }
0xc5: {  	[sflag:s0] =	ssyncadd.tile.s32 @!p0 $0x1;
	_ =	shalt  }
.Lfunc_end2:
_tile_overlayer_lowered:
.L_overlay_start_2:
0xc6: {  	(tag) =	ssettag $0x2  }
0xc7: {  	s0 =	rddreg [dreg:$0x0];
	s2 =	stileid.u32  }
0xc8: {  	s1 =	rddreg [dreg:$0x1];
	p0 =	sne.s32 s2, $0x0  }
0xc9: {  	s3 =	rddreg [dreg:$0x2];
	[bflag:$0x3] =	sbarrier.arrive $0xFFFF;
	s2 =	simm.s32 @!p0 $0x1C02  }
0xca: {  	[timem:s3], [sflag:s2] =	dma.local @!p0 [hbm:s0], s1  }
0xcb: {  	s0 =	simm.s32 @!p0 $0x2  }
0xcc: {  	_ =	swait.ge @!p0 [sflag:s0], s1  }
0xcd: {  	s1 =	ssub.s32 @!p0 $0x0, s1;
	[sflag:s0] =	ssyncset.done @!p0 $0x0  }
0xce: {  	[sflag:s0] =	ssyncadd.s32 @!p0 s1  }
0xcf: {  	[bflag:$0x3] =	sbarrier.arrive $0xFFFF  }
0xd0: {  	_ =	shalt  }

</sc_bundles>
